<compile_context>
chip_gen: v7x
topology: tpu7x:2x2x1
jax: 0.10.2.dev20260603
libtpu: 0.0.44.dev20260713+nightly
codegen_flags: <defaults>
</compile_context>

<pallas_src>
import functools

import jax
import jax.numpy as jnp
from jax import lax
from jax.experimental import pallas as pl
from jax.experimental.pallas import tpu as pltpu
from jax.experimental.pallas import tpu_sc as plsc

VOCAB = 100000
EMB = 200
HID = 32
B = 1024
L = 200
G = 6 * HID
GW = 128
H2 = 2 * HID

_BM = 5000
_PGRID = VOCAB // _BM


def _proj_block(e, w, b):
    g = (jnp.dot(e.astype(jnp.bfloat16), w.astype(jnp.bfloat16),
                 preferred_element_type=jnp.float32) + b)
    u32 = jnp.uint32
    a = lax.bitcast_convert_type(
        g[:, :GW].astype(jnp.bfloat16).astype(jnp.float32), u32)
    bb = lax.bitcast_convert_type(
        g[:, GW:].astype(jnp.bfloat16).astype(jnp.float32), u32)
    word = (a >> 16) | (bb & u32(0xFFFF0000))
    return lax.bitcast_convert_type(word, jnp.int32)


def _proj_body(emb0_ref, emb1_ref, w_ref, b_ref, out_ref):
    out_ref[:_BM] = _proj_block(emb0_ref[...], w_ref[...], b_ref[...])
    out_ref[_BM:] = _proj_block(emb1_ref[...], w_ref[...], b_ref[...])


def _proj_call(emb, wcat, bcat):
    return pl.pallas_call(
        _proj_body,
        grid=(_PGRID // 2,),
        in_specs=[
            pl.BlockSpec((_BM, EMB), lambda i: (2 * i, 0)),
            pl.BlockSpec((_BM, EMB), lambda i: (2 * i + 1, 0)),
            pl.BlockSpec((EMB, 2 * GW), lambda i: (0, 0)),
            pl.BlockSpec((1, 2 * GW), lambda i: (0, 0)),
        ],
        out_specs=pl.BlockSpec((2 * _BM, GW), lambda i: (i, 0)),
        out_shape=jax.ShapeDtypeStruct((VOCAB, GW), jnp.int32),
        compiler_params=pltpu.CompilerParams(
            dimension_semantics=("parallel",)),
    )(emb, emb, wcat, bcat)


_NC = 2
_NS = 16
_NW = _NC * _NS
_ROWS = B * L
_RPW = _ROWS // _NW
_CH = 200
_NCH = _RPW // _CH
_NPAIR = _NCH // 2


def _gather_body(table, idx, out, idx_v, rows_a, rows_b, sem_a, sem_b):
    wid = lax.axis_index("s") * _NC + lax.axis_index("c")
    base = wid * _RPW
    pltpu.sync_copy(idx.at[pl.ds(base, _RPW)], idx_v)

    pltpu.async_copy(table.at[idx_v.at[pl.ds(0, _CH)]], rows_a, sem_a)

    def pair(i, carry):
        c0 = 2 * i
        c1 = c0 + 1
        cp_b = pltpu.async_copy(
            table.at[idx_v.at[pl.ds(c1 * _CH, _CH)]], rows_b, sem_b)
        pltpu.make_async_copy(
            table.at[idx_v.at[pl.ds(c0 * _CH, _CH)]], rows_a, sem_a).wait()
        pltpu.sync_copy(rows_a, out.at[pl.ds(base + c0 * _CH, _CH)])

        @pl.when(i + 1 < _NPAIR)
        def _():
            pltpu.async_copy(
                table.at[idx_v.at[pl.ds((c0 + 2) * _CH, _CH)]], rows_a, sem_a)

        cp_b.wait()
        pltpu.sync_copy(rows_b, out.at[pl.ds(base + c1 * _CH, _CH)])
        return carry

    lax.fori_loop(0, _NPAIR, pair, 0)


@functools.lru_cache(maxsize=1)
def _make_gather():
    return pl.kernel(
        _gather_body,
        mesh=plsc.VectorSubcoreMesh(core_axis_name="c", subcore_axis_name="s"),
        out_type=jax.ShapeDtypeStruct((_ROWS, GW), jnp.int32),
        scratch_types=[
            pltpu.VMEM((_RPW,), jnp.int32),
            pltpu.VMEM((_CH, GW), jnp.int32),
            pltpu.VMEM((_CH, GW), jnp.int32),
            pltpu.SemaphoreType.DMA,
            pltpu.SemaphoreType.DMA,
        ],
    )


_K = 8
_TGRID = L // _K


def _sig(x):
    return 0.5 * jnp.tanh(0.5 * x) + 0.5


def _scan_body(xf_ref, xb_ref, m_ref, whh_ref, bhh_ref, wout_ref, bout_ref,
               out_ref, h_ref):
    i = pl.program_id(0)

    @pl.when(i == 0)
    def _():
        h_ref[...] = jnp.zeros_like(h_ref)

    u32 = jnp.uint32
    f32 = jnp.float32
    take_f = m_ref[...] != 0
    h = h_ref[...]
    for k in range(_K):
        xf = xf_ref[k * B:(k + 1) * B, :]
        xb = xb_ref[(_K - 1 - k) * B:(_K - k) * B, :]
        w = jnp.where(take_f, xf, xb)
        wu = lax.bitcast_convert_type(w, u32)
        gi_rz = lax.bitcast_convert_type(wu << 16, f32)
        gi_n = lax.bitcast_convert_type(wu & u32(0xFFFF0000), f32)

        gh = (jnp.dot(h, whh_ref[...], preferred_element_type=f32)
              + bhh_ref[...])
        rz = _sig(gi_rz + gh[:, :2 * H2])
        r = rz[:, :H2]
        z = rz[:, H2:2 * H2]
        n = jnp.tanh(gi_n[:, :H2] + r * gh[:, 2 * H2:3 * H2])
        h = (1.0 - z) * n + z * h
    h_ref[...] = h

    @pl.when(i == _TGRID - 1)
    def _():
        raw = (jnp.sum(h * wout_ref[...], axis=1, keepdims=True)
               + bout_ref[...])
        out_ref[...] = _sig(raw)


def _scan_call(x2d, mrow, whh2, bhh2, wout2, boutr):
    return pl.pallas_call(
        _scan_body,
        grid=(_TGRID,),
        in_specs=[
            pl.BlockSpec((_K * B, GW), lambda t: (t, 0)),
            pl.BlockSpec((_K * B, GW), lambda t: (_TGRID - 1 - t, 0)),
            pl.BlockSpec((1, GW), lambda t: (0, 0)),
            pl.BlockSpec((H2, 3 * H2), lambda t: (0, 0)),
            pl.BlockSpec((1, 3 * H2), lambda t: (0, 0)),
            pl.BlockSpec((1, H2), lambda t: (0, 0)),
            pl.BlockSpec((1, 1), lambda t: (0, 0)),
        ],
        out_specs=pl.BlockSpec((B, 1), lambda t: (0, 0)),
        out_shape=jax.ShapeDtypeStruct((B, 1), jnp.float32),
        scratch_shapes=[pltpu.VMEM((B, H2), jnp.float32)],
        compiler_params=pltpu.CompilerParams(
            dimension_semantics=("arbitrary",)),
    )(x2d, x2d, mrow, whh2, bhh2, wout2, boutr)


def _interleave_cols(wf, wb):
    parts = []
    for g in range(3):
        parts.append(wf[:, g * HID:(g + 1) * HID])
        parts.append(wb[:, g * HID:(g + 1) * HID])
    return jnp.concatenate(parts, axis=1)


def kernel(sentence_token, emb, Wih_f, Whh_f, bih_f, bhh_f,
           Wih_b, Whh_b, bih_b, bhh_b, Wout, bout):
    f32 = jnp.float32
    tok = sentence_token.astype(jnp.int32).T.reshape(_ROWS)

    wcat = _interleave_cols(Wih_f.T, Wih_b.T)
    wcat = jnp.pad(wcat, ((0, 0), (0, 2 * GW - G)))
    bcat = _interleave_cols(bih_f.reshape(1, -1), bih_b.reshape(1, -1))
    bcat = jnp.pad(bcat, ((0, 0), (0, 2 * GW - G)))

    whh2 = _interleave_cols(
        jnp.concatenate([Whh_f.T, jnp.zeros((HID, 3 * HID), f32)], axis=0),
        jnp.concatenate([jnp.zeros((HID, 3 * HID), f32), Whh_b.T], axis=0))
    bhh2 = _interleave_cols(bhh_f.reshape(1, -1), bhh_b.reshape(1, -1))
    wout2 = jnp.concatenate([Wout.reshape(1, HID)] * 2, axis=1)
    mrow = ((jnp.arange(GW, dtype=jnp.int32) % H2) < HID).astype(
        jnp.int32).reshape(1, GW)

    table = _proj_call(emb, wcat, bcat)
    x2d = _make_gather()(table, tok)
    return _scan_call(x2d, mrow, whh2, bhh2, wout2, bout.reshape(1, 1))

# --- scband reference (transcript-rebuilt; emitter-appended) ---
"""Pipeline reference for scband-scan-net-13271448945355 (READ-ONLY COPY).

The authoritative reference and input builder live on the scoring server;
editing this copy changes nothing except your own understanding.
"""

import jax, jax.numpy as jnp
import numpy as np

VOCAB = 100000
EMB = 200
HID = 32
B = 1024
L = 200


def setup_inputs(seed: int = 0) -> dict:
    key = jax.random.key(seed)
    ks = jax.random.split(key, 8)

    def w(k, shape):
        return (jax.random.normal(k, shape, dtype=jnp.float32) * 0.05)

    inp = {
        "sentence_token": jax.random.randint(ks[0], (B, L), 0, VOCAB),
        "emb": jax.random.normal(ks[1], (VOCAB, EMB), dtype=jnp.float32) * 0.1,
        "Wih_f": w(ks[2], (3 * HID, EMB)),
        "Whh_f": w(ks[3], (3 * HID, HID)),
        "bih_f": jnp.zeros((3 * HID,), dtype=jnp.float32),
        "bhh_f": jnp.zeros((3 * HID,), dtype=jnp.float32),
        "Wih_b": w(ks[4], (3 * HID, EMB)),
        "Whh_b": w(ks[5], (3 * HID, HID)),
        "bih_b": jnp.zeros((3 * HID,), dtype=jnp.float32),
        "bhh_b": jnp.zeros((3 * HID,), dtype=jnp.float32),
        "Wout": w(ks[6], (1, HID)),
        "bout": jnp.zeros((1,), dtype=jnp.float32),
    }
    return inp


def _gru_scan(xs, Wih, Whh, bih, bhh):
    # xs: [L, B, E]; PyTorch GRU gate convention (r, z, n)
    h0 = jnp.zeros((xs.shape[1], Wih.shape[0] // 3), dtype=xs.dtype)

    def step(h, x_t):
        gi = x_t @ Wih.T + bih
        gh = h @ Whh.T + bhh
        i_r, i_z, i_n = jnp.split(gi, 3, axis=-1)
        h_r, h_z, h_n = jnp.split(gh, 3, axis=-1)
        r = jax.nn.sigmoid(i_r + h_r)
        z = jax.nn.sigmoid(i_z + h_z)
        n = jnp.tanh(i_n + r * h_n)
        h_new = (1.0 - z) * n + z * h
        return h_new, None

    hT, _ = jax.lax.scan(step, h0, xs)
    return hT


def reference(sentence_token, emb, Wih_f, Whh_f, bih_f, bhh_f, Wih_b, Whh_b, bih_b, bhh_b, Wout, bout):
    # frozen embedding lookup (sen_encoder.embedding.requires_grad = False)
    x = jnp.take(emb, sentence_token, axis=0)          # [B, L, E]
    xs = jnp.transpose(x, (1, 0, 2))                   # [L, B, E]
    h_fwd = _gru_scan(xs, Wih_f, Whh_f, bih_f, bhh_f)  # [B, HID]
    h_bwd = _gru_scan(xs[::-1], Wih_b, Whh_b, bih_b, bhh_b)
    s_v = h_fwd + h_bwd                                # bidirectional summed -> 32-dim
    raw_out = s_v @ Wout.T + bout                      # Linear(32, 1)
    return jax.nn.sigmoid(raw_out)                     # [B, 1]

if __name__ == "__main__":
    import jax
    _d = setup_inputs()
    print(jax.jit(kernel)(*tuple(_d.values())))

</pallas_src>

<mosaic_0001>
#map = affine_map<(d0, d1) -> (0, 0)>
#map1 = affine_map<(d0, d1) -> (0)>
module attributes {stable_mosaic.version = 14 : i64} {
  func.func @_gather_body(%arg0: i32, %arg1: i32, %arg2: memref<100000x128xi32, #tpu.memory_space<hbm>>, %arg3: memref<204800xi32, #tpu.memory_space<hbm>>, %arg4: memref<204800x128xi32, #tpu.memory_space<hbm>>, %arg5: memref<6400xi32, #tpu.memory_space<vmem>>, %arg6: memref<200x128xi32, #tpu.memory_space<vmem>>, %arg7: memref<200x128xi32, #tpu.memory_space<vmem>>, %arg8: memref<!tpu.dma_semaphore, #tpu.memory_space<semaphore_mem>>, %arg9: memref<!tpu.dma_semaphore, #tpu.memory_space<semaphore_mem>>) attributes {dimension_semantics = [#tpu.dimension_semantics<core_parallel>, #tpu.dimension_semantics<subcore_parallel>], iteration_bounds = array<i64: 2, 16>, scalar_prefetch = 0 : i64, scratch_operands = 5 : i64, tpu.core_type = #tpu.core_type<sc_vector_subcore>, window_params = [{transform_indices = #map}, {transform_indices = #map1}, {transform_indices = #map}]} {
    %mul3A = arith.constant 2 : i32
    %mul3A_0 = arith.muli %arg1, %mul3A : i32
    %add3A = arith.addi %mul3A_0, %arg0 : i32
    %mul3A_1 = arith.constant 6400 : i32
    %mul3A_2 = arith.muli %add3A, %mul3A_1 : i32
    "tpu.region"() ({
      %run_scoped3A = tpu.sem_alloc : memref<!tpu.dma_semaphore, #tpu.memory_space<semaphore_mem>>
      %dma_start3A_12 = tpu.memref_slice %arg3[%mul3A_2] : memref<204800xi32, #tpu.memory_space<hbm>> -> memref<6400xi32, #tpu.memory_space<hbm>>
      %dma_start3A_13 = tpu.memref_slice %arg3[%mul3A_2] : memref<204800xi32, #tpu.memory_space<hbm>> -> memref<6400xi32, #tpu.memory_space<hbm>>
      tpu.enqueue_dma source(%dma_start3A_13 : memref<6400xi32, #tpu.memory_space<hbm>>) target(%arg5 : memref<6400xi32, #tpu.memory_space<vmem>>) target_semaphore(%run_scoped3A : memref<!tpu.dma_semaphore, #tpu.memory_space<semaphore_mem>>)
      %dma_wait3A = tpu.memref_slice %arg3[%mul3A_2] : memref<204800xi32, #tpu.memory_space<hbm>> -> memref<6400xi32, #tpu.memory_space<hbm>>
      %dma_wait3A_14 = tpu.memref_slice %arg3[%mul3A_2] : memref<204800xi32, #tpu.memory_space<hbm>> -> memref<6400xi32, #tpu.memory_space<hbm>>
      tpu.wait_dma2 semaphore(%run_scoped3A : memref<!tpu.dma_semaphore, #tpu.memory_space<semaphore_mem>>) src(%dma_wait3A_14 : memref<6400xi32, #tpu.memory_space<hbm>>) dst(%arg5 : memref<6400xi32, #tpu.memory_space<vmem>>)
      tpu.yield
    }) : () -> ()
    %dma_start3A = arith.constant 0 : i32
    %dma_start3A_3 = tpu.memref_slice %arg5[%dma_start3A] : memref<6400xi32, #tpu.memory_space<vmem>> -> memref<200xi32, #tpu.memory_space<vmem>>
    %dma_start3A_4 = arith.constant 0 : i32
    %dma_start3A_5 = arith.constant 0 : i32
    %dma_start3A_6 = tpu.memref_slice %arg2[%dma_start3A_4, %dma_start3A_5] : memref<100000x128xi32, #tpu.memory_space<hbm>> -> memref<100000x128xi32, #tpu.memory_space<hbm>>
    tpu.enqueue_indirect_dma source(%dma_start3A_6 : memref<100000x128xi32, #tpu.memory_space<hbm>>) target(%arg6 : memref<200x128xi32, #tpu.memory_space<vmem>>) offsets(%dma_start3A_3 : memref<200xi32, #tpu.memory_space<vmem>>) semaphore(%arg8 : memref<!tpu.dma_semaphore, #tpu.memory_space<semaphore_mem>>)
    %scan3A = arith.constant 0 : i32
    %scan3A_7 = arith.constant 0 : i32
    %scan3A_8 = arith.constant 16 : i32
    %scan3A_9 = arith.addi %scan3A_7, %scan3A_8 : i32
    %scan3A_10 = arith.constant 1 : i32
    scf.for %scan3A_12 = %scan3A_7 to %scan3A_9 step %scan3A_10  : i32 {
      %mul3A_13 = arith.constant 2 : i32
      %mul3A_14 = arith.muli %mul3A_13, %scan3A_12 : i32
      %add3A_15 = arith.constant 1 : i32
      %add3A_16 = arith.addi %mul3A_14, %add3A_15 : i32
      %mul3A_17 = arith.constant 200 : i32
      %mul3A_18 = arith.muli %add3A_16, %mul3A_17 : i32
      %dma_start3A_19 = tpu.memref_slice %arg5[%mul3A_18] : memref<6400xi32, #tpu.memory_space<vmem>> -> memref<200xi32, #tpu.memory_space<vmem>>
      %dma_start3A_20 = arith.constant 0 : i32
      %dma_start3A_21 = arith.constant 0 : i32
      %dma_start3A_22 = tpu.memref_slice %arg2[%dma_start3A_20, %dma_start3A_21] : memref<100000x128xi32, #tpu.memory_space<hbm>> -> memref<100000x128xi32, #tpu.memory_space<hbm>>
      tpu.enqueue_indirect_dma source(%dma_start3A_22 : memref<100000x128xi32, #tpu.memory_space<hbm>>) target(%arg7 : memref<200x128xi32, #tpu.memory_space<vmem>>) offsets(%dma_start3A_19 : memref<200xi32, #tpu.memory_space<vmem>>) semaphore(%arg9 : memref<!tpu.dma_semaphore, #tpu.memory_space<semaphore_mem>>)
      %mul3A_23 = arith.constant 200 : i32
      %mul3A_24 = arith.muli %mul3A_14, %mul3A_23 : i32
      %dma_wait3A = tpu.memref_slice %arg5[%mul3A_24] : memref<6400xi32, #tpu.memory_space<vmem>> -> memref<200xi32, #tpu.memory_space<vmem>>
      %dma_wait3A_25 = arith.constant 0 : i32
      %dma_wait3A_26 = arith.constant 0 : i32
      %dma_wait3A_27 = tpu.memref_slice %arg2[%dma_wait3A_25, %dma_wait3A_26] : memref<100000x128xi32, #tpu.memory_space<hbm>> -> memref<100000x128xi32, #tpu.memory_space<hbm>>
      tpu.wait_indirect_dma semaphore(%arg8 : memref<!tpu.dma_semaphore, #tpu.memory_space<semaphore_mem>>) src(%dma_wait3A_27 : memref<100000x128xi32, #tpu.memory_space<hbm>>) dst(%arg6 : memref<200x128xi32, #tpu.memory_space<vmem>>)
      %mul3A_28 = arith.constant 200 : i32
      %mul3A_29 = arith.muli %mul3A_14, %mul3A_28 : i32
      %add3A_30 = arith.addi %mul3A_2, %mul3A_29 : i32
      "tpu.region"() ({
        %run_scoped3A = tpu.sem_alloc : memref<!tpu.dma_semaphore, #tpu.memory_space<semaphore_mem>>
        %dma_start3A_42 = arith.constant 0 : i32
        %dma_start3A_43 = tpu.memref_slice %arg4[%add3A_30, %dma_start3A_42] : memref<204800x128xi32, #tpu.memory_space<hbm>> -> memref<200x128xi32, #tpu.memory_space<hbm>>
        %dma_start3A_44 = arith.constant 0 : i32
        %dma_start3A_45 = tpu.memref_slice %arg4[%add3A_30, %dma_start3A_44] : memref<204800x128xi32, #tpu.memory_space<hbm>> -> memref<200x128xi32, #tpu.memory_space<hbm>>
        tpu.enqueue_dma source(%arg6 : memref<200x128xi32, #tpu.memory_space<vmem>>) target(%dma_start3A_45 : memref<200x128xi32, #tpu.memory_space<hbm>>) target_semaphore(%run_scoped3A : memref<!tpu.dma_semaphore, #tpu.memory_space<semaphore_mem>>)
        %dma_wait3A_46 = arith.constant 0 : i32
        %dma_wait3A_47 = tpu.memref_slice %arg4[%add3A_30, %dma_wait3A_46] : memref<204800x128xi32, #tpu.memory_space<hbm>> -> memref<200x128xi32, #tpu.memory_space<hbm>>
        %dma_wait3A_48 = arith.constant 0 : i32
        %dma_wait3A_49 = tpu.memref_slice %arg4[%add3A_30, %dma_wait3A_48] : memref<204800x128xi32, #tpu.memory_space<hbm>> -> memref<200x128xi32, #tpu.memory_space<hbm>>
        tpu.wait_dma2 semaphore(%run_scoped3A : memref<!tpu.dma_semaphore, #tpu.memory_space<semaphore_mem>>) src(%arg6 : memref<200x128xi32, #tpu.memory_space<vmem>>) dst(%dma_wait3A_49 : memref<200x128xi32, #tpu.memory_space<hbm>>)
        tpu.yield
      }) : () -> ()
      %add3A_31 = arith.constant 1 : i32
      %add3A_32 = arith.addi %scan3A_12, %add3A_31 : i32
      %lt3A = arith.constant 16 : i32
      %lt3A_33 = arith.cmpi slt, %add3A_32, %lt3A : i32
      %convert_element_type3A = arith.extui %lt3A_33 : i1 to i32
      %cond3A = arith.constant 0 : i32
      %cond3A_34 = arith.cmpi ne, %convert_element_type3A, %cond3A : i32
      scf.if %cond3A_34 {
        %add3A_42 = arith.constant 2 : i32
        %add3A_43 = arith.addi %mul3A_14, %add3A_42 : i32
        %mul3A_44 = arith.constant 200 : i32
        %mul3A_45 = arith.muli %add3A_43, %mul3A_44 : i32
        %dma_start3A_46 = tpu.memref_slice %arg5[%mul3A_45] : memref<6400xi32, #tpu.memory_space<vmem>> -> memref<200xi32, #tpu.memory_space<vmem>>
        %dma_start3A_47 = arith.constant 0 : i32
        %dma_start3A_48 = arith.constant 0 : i32
        %dma_start3A_49 = tpu.memref_slice %arg2[%dma_start3A_47, %dma_start3A_48] : memref<100000x128xi32, #tpu.memory_space<hbm>> -> memref<100000x128xi32, #tpu.memory_space<hbm>>
        tpu.enqueue_indirect_dma source(%dma_start3A_49 : memref<100000x128xi32, #tpu.memory_space<hbm>>) target(%arg6 : memref<200x128xi32, #tpu.memory_space<vmem>>) offsets(%dma_start3A_46 : memref<200xi32, #tpu.memory_space<vmem>>) semaphore(%arg8 : memref<!tpu.dma_semaphore, #tpu.memory_space<semaphore_mem>>)
      } else {
      }
      %dma_wait3A_35 = tpu.memref_slice %arg5[%mul3A_18] : memref<6400xi32, #tpu.memory_space<vmem>> -> memref<200xi32, #tpu.memory_space<vmem>>
      %dma_wait3A_36 = arith.constant 0 : i32
      %dma_wait3A_37 = arith.constant 0 : i32
      %dma_wait3A_38 = tpu.memref_slice %arg2[%dma_wait3A_36, %dma_wait3A_37] : memref<100000x128xi32, #tpu.memory_space<hbm>> -> memref<100000x128xi32, #tpu.memory_space<hbm>>
      tpu.wait_indirect_dma semaphore(%arg9 : memref<!tpu.dma_semaphore, #tpu.memory_space<semaphore_mem>>) src(%dma_wait3A_38 : memref<100000x128xi32, #tpu.memory_space<hbm>>) dst(%arg7 : memref<200x128xi32, #tpu.memory_space<vmem>>)
      %mul3A_39 = arith.constant 200 : i32
      %mul3A_40 = arith.muli %add3A_16, %mul3A_39 : i32
      %add3A_41 = arith.addi %mul3A_2, %mul3A_40 : i32
      "tpu.region"() ({
        %run_scoped3A = tpu.sem_alloc : memref<!tpu.dma_semaphore, #tpu.memory_space<semaphore_mem>>
        %dma_start3A_42 = arith.constant 0 : i32
        %dma_start3A_43 = tpu.memref_slice %arg4[%add3A_41, %dma_start3A_42] : memref<204800x128xi32, #tpu.memory_space<hbm>> -> memref<200x128xi32, #tpu.memory_space<hbm>>
        %dma_start3A_44 = arith.constant 0 : i32
        %dma_start3A_45 = tpu.memref_slice %arg4[%add3A_41, %dma_start3A_44] : memref<204800x128xi32, #tpu.memory_space<hbm>> -> memref<200x128xi32, #tpu.memory_space<hbm>>
        tpu.enqueue_dma source(%arg7 : memref<200x128xi32, #tpu.memory_space<vmem>>) target(%dma_start3A_45 : memref<200x128xi32, #tpu.memory_space<hbm>>) target_semaphore(%run_scoped3A : memref<!tpu.dma_semaphore, #tpu.memory_space<semaphore_mem>>)
        %dma_wait3A_46 = arith.constant 0 : i32
        %dma_wait3A_47 = tpu.memref_slice %arg4[%add3A_41, %dma_wait3A_46] : memref<204800x128xi32, #tpu.memory_space<hbm>> -> memref<200x128xi32, #tpu.memory_space<hbm>>
        %dma_wait3A_48 = arith.constant 0 : i32
        %dma_wait3A_49 = tpu.memref_slice %arg4[%add3A_41, %dma_wait3A_48] : memref<204800x128xi32, #tpu.memory_space<hbm>> -> memref<200x128xi32, #tpu.memory_space<hbm>>
        tpu.wait_dma2 semaphore(%run_scoped3A : memref<!tpu.dma_semaphore, #tpu.memory_space<semaphore_mem>>) src(%arg7 : memref<200x128xi32, #tpu.memory_space<vmem>>) dst(%dma_wait3A_49 : memref<200x128xi32, #tpu.memory_space<hbm>>)
        tpu.yield
      }) : () -> ()
    }
    %scan3A_11 = arith.constant 16 : i32
    return
  }
}

module attributes {stable_mosaic.version = 14 : i64} {
  func.func @_proj_body(%arg0: i32, %arg1: memref<5000x200xf32, #tpu.memory_space<vmem>>, %arg2: memref<5000x200xf32, #tpu.memory_space<vmem>>, %arg3: memref<200x256xf32, #tpu.memory_space<vmem>>, %arg4: memref<1x256xf32, #tpu.memory_space<vmem>>, %arg5: memref<10000x128xi32, #tpu.memory_space<vmem>>) attributes {dimension_semantics = [#tpu.dimension_semantics<parallel>], iteration_bounds = array<i64: 10>, scalar_prefetch = 0 : i64, scratch_operands = 0 : i64, tpu.core_type = #tpu.core_type<tc>, window_params = [{transform_indices = @transform_0, window_bounds = array<i64: 5000, 200>}, {transform_indices = @transform_1, window_bounds = array<i64: 5000, 200>}, {pipeline_mode = #tpu.pipeline_mode<synchronous>, transform_indices = @transform_2, window_bounds = array<i64: 200, 256>}, {pipeline_mode = #tpu.pipeline_mode<synchronous>, transform_indices = @transform_3, window_bounds = array<i64: 1, 256>}, {transform_indices = @transform_4, window_bounds = array<i64: 10000, 128>}]} {
    %get3A = arith.constant 0 : index
    %get3A_0 = arith.constant 0 : index
    %get3A_1 = vector.load %arg1[%get3A, %get3A_0] : memref<5000x200xf32, #tpu.memory_space<vmem>>, vector<5000x200xf32>
    %get3A_2 = arith.constant 0 : index
    %get3A_3 = arith.constant 0 : index
    %get3A_4 = vector.load %arg3[%get3A_2, %get3A_3] : memref<200x256xf32, #tpu.memory_space<vmem>>, vector<200x256xf32>
    %get3A_5 = arith.constant 0 : index
    %get3A_6 = arith.constant 0 : index
    %get3A_7 = vector.load %arg4[%get3A_5, %get3A_6] : memref<1x256xf32, #tpu.memory_space<vmem>>, vector<1x256xf32>
    %convert_element_type3A = arith.truncf %get3A_1 : vector<5000x200xf32> to vector<5000x200xbf16>
    %convert_element_type3A_8 = arith.truncf %get3A_4 : vector<200x256xf32> to vector<200x256xbf16>
    %dot_general3A = arith.constant dense<0.000000e+00> : vector<5000x256xf32>
    %dot_general3A_9 = tpu.matmul %convert_element_type3A, %convert_element_type3A_8, %dot_general3A {dimension_numbers = #tpu.dot_dimension_numbers<[1], [0], [0], [1], [0, 0, 1, 1], [], []>, transpose_lhs_hint = false} : vector<5000x200xbf16>, vector<200x256xbf16>, vector<5000x256xf32> -> vector<5000x256xf32>
    %add3A = vector.broadcast %get3A_7 : vector<1x256xf32> to vector<5000x256xf32>
    %add3A_10 = arith.addf %dot_general3A_9, %add3A : vector<5000x256xf32>
    %slice3A = vector.extract_strided_slice %add3A_10 {offsets = [0, 0], sizes = [5000, 128], strides = [1, 1]} : vector<5000x256xf32> to vector<5000x128xf32>
    %convert_element_type3A_11 = arith.truncf %slice3A : vector<5000x128xf32> to vector<5000x128xbf16>
    %convert_element_type3A_12 = arith.extf %convert_element_type3A_11 : vector<5000x128xbf16> to vector<5000x128xf32>
    %bitcast_convert_type3A = tpu.bitcast %convert_element_type3A_12 : vector<5000x128xf32> -> vector<5000x128xi32>
    %slice3A_13 = vector.extract_strided_slice %add3A_10 {offsets = [0, 128], sizes = [5000, 128], strides = [1, 1]} : vector<5000x256xf32> to vector<5000x128xf32>
    %convert_element_type3A_14 = arith.truncf %slice3A_13 : vector<5000x128xf32> to vector<5000x128xbf16>
    %convert_element_type3A_15 = arith.extf %convert_element_type3A_14 : vector<5000x128xbf16> to vector<5000x128xf32>
    %bitcast_convert_type3A_16 = tpu.bitcast %convert_element_type3A_15 : vector<5000x128xf32> -> vector<5000x128xi32>
    %shift_right_logical3A = arith.constant 16 : i32
    %shift_right_logical3A_17 = vector.broadcast %shift_right_logical3A : i32 to vector<5000x128xi32>
    %shift_right_logical3A_18 = arith.shrui %bitcast_convert_type3A, %shift_right_logical3A_17 : vector<5000x128xi32>
    %and3A = arith.constant -65536 : i32
    %and3A_19 = vector.broadcast %and3A : i32 to vector<5000x128xi32>
    %and3A_20 = arith.andi %bitcast_convert_type3A_16, %and3A_19 : vector<5000x128xi32>
    %or3A = arith.ori %shift_right_logical3A_18, %and3A_20 : vector<5000x128xi32>
    %bitcast_convert_type3A_21 = tpu.bitcast %or3A : vector<5000x128xi32> -> vector<5000x128xi32>
    %swap3A = arith.constant 0 : index
    %swap3A_22 = arith.constant 0 : index
    %swap3A_23 = vector.load %arg5[%swap3A, %swap3A_22] : memref<10000x128xi32, #tpu.memory_space<vmem>>, vector<5000x128xi32>
    tpu.vector_store %arg5[%swap3A, %swap3A_22], %bitcast_convert_type3A_21 {strides = array<i32>} : memref<10000x128xi32, #tpu.memory_space<vmem>>, vector<5000x128xi32>,
    %get3A_24 = arith.constant 0 : index
    %get3A_25 = arith.constant 0 : index
    %get3A_26 = vector.load %arg2[%get3A_24, %get3A_25] : memref<5000x200xf32, #tpu.memory_space<vmem>>, vector<5000x200xf32>
    %get3A_27 = arith.constant 0 : index
    %get3A_28 = arith.constant 0 : index
    %get3A_29 = vector.load %arg3[%get3A_27, %get3A_28] : memref<200x256xf32, #tpu.memory_space<vmem>>, vector<200x256xf32>
    %get3A_30 = arith.constant 0 : index
    %get3A_31 = arith.constant 0 : index
    %get3A_32 = vector.load %arg4[%get3A_30, %get3A_31] : memref<1x256xf32, #tpu.memory_space<vmem>>, vector<1x256xf32>
    %convert_element_type3A_33 = arith.truncf %get3A_26 : vector<5000x200xf32> to vector<5000x200xbf16>
    %convert_element_type3A_34 = arith.truncf %get3A_29 : vector<200x256xf32> to vector<200x256xbf16>
    %dot_general3A_35 = arith.constant dense<0.000000e+00> : vector<5000x256xf32>
    %dot_general3A_36 = tpu.matmul %convert_element_type3A_33, %convert_element_type3A_34, %dot_general3A_35 {dimension_numbers = #tpu.dot_dimension_numbers<[1], [0], [0], [1], [0, 0, 1, 1], [], []>, transpose_lhs_hint = false} : vector<5000x200xbf16>, vector<200x256xbf16>, vector<5000x256xf32> -> vector<5000x256xf32>
    %add3A_37 = vector.broadcast %get3A_32 : vector<1x256xf32> to vector<5000x256xf32>
    %add3A_38 = arith.addf %dot_general3A_36, %add3A_37 : vector<5000x256xf32>
    %slice3A_39 = vector.extract_strided_slice %add3A_38 {offsets = [0, 0], sizes = [5000, 128], strides = [1, 1]} : vector<5000x256xf32> to vector<5000x128xf32>
    %convert_element_type3A_40 = arith.truncf %slice3A_39 : vector<5000x128xf32> to vector<5000x128xbf16>
    %convert_element_type3A_41 = arith.extf %convert_element_type3A_40 : vector<5000x128xbf16> to vector<5000x128xf32>
    %bitcast_convert_type3A_42 = tpu.bitcast %convert_element_type3A_41 : vector<5000x128xf32> -> vector<5000x128xi32>
    %slice3A_43 = vector.extract_strided_slice %add3A_38 {offsets = [0, 128], sizes = [5000, 128], strides = [1, 1]} : vector<5000x256xf32> to vector<5000x128xf32>
    %convert_element_type3A_44 = arith.truncf %slice3A_43 : vector<5000x128xf32> to vector<5000x128xbf16>
    %convert_element_type3A_45 = arith.extf %convert_element_type3A_44 : vector<5000x128xbf16> to vector<5000x128xf32>
    %bitcast_convert_type3A_46 = tpu.bitcast %convert_element_type3A_45 : vector<5000x128xf32> -> vector<5000x128xi32>
    %shift_right_logical3A_47 = arith.constant 16 : i32
    %shift_right_logical3A_48 = vector.broadcast %shift_right_logical3A_47 : i32 to vector<5000x128xi32>
    %shift_right_logical3A_49 = arith.shrui %bitcast_convert_type3A_42, %shift_right_logical3A_48 : vector<5000x128xi32>
    %and3A_50 = arith.constant -65536 : i32
    %and3A_51 = vector.broadcast %and3A_50 : i32 to vector<5000x128xi32>
    %and3A_52 = arith.andi %bitcast_convert_type3A_46, %and3A_51 : vector<5000x128xi32>
    %or3A_53 = arith.ori %shift_right_logical3A_49, %and3A_52 : vector<5000x128xi32>
    %bitcast_convert_type3A_54 = tpu.bitcast %or3A_53 : vector<5000x128xi32> -> vector<5000x128xi32>
    %swap3A_55 = arith.constant 5000 : index
    %swap3A_56 = arith.constant 0 : index
    %swap3A_57 = vector.load %arg5[%swap3A_55, %swap3A_56] : memref<10000x128xi32, #tpu.memory_space<vmem>>, vector<5000x128xi32>
    tpu.vector_store %arg5[%swap3A_55, %swap3A_56], %bitcast_convert_type3A_54 {strides = array<i32>} : memref<10000x128xi32, #tpu.memory_space<vmem>>, vector<5000x128xi32>,
    return
  }
  func.func @transform_0(%arg0: i32) -> (i32, i32) {
    %mul3A = arith.constant 2 : i32
    %mul3A_0 = arith.muli %mul3A, %arg0 : i32
    %c0_i32 = arith.constant 0 : i32
    %c0_i32_1 = arith.constant 0 : i32
    return %mul3A_0, %c0_i32 : i32, i32
  }
  func.func @transform_1(%arg0: i32) -> (i32, i32) {
    %mul3A = arith.constant 2 : i32
    %mul3A_0 = arith.muli %mul3A, %arg0 : i32
    %add3A = arith.constant 1 : i32
    %add3A_1 = arith.addi %mul3A_0, %add3A : i32
    %c0_i32 = arith.constant 0 : i32
    %c0_i32_2 = arith.constant 0 : i32
    return %add3A_1, %c0_i32 : i32, i32
  }
  func.func @transform_2(%arg0: i32) -> (i32, i32) {
    %c0_i32 = arith.constant 0 : i32
    %c0_i32_0 = arith.constant 0 : i32
    %c0_i32_1 = arith.constant 0 : i32
    return %c0_i32, %c0_i32_0 : i32, i32
  }
  func.func @transform_3(%arg0: i32) -> (i32, i32) {
    %c0_i32 = arith.constant 0 : i32
    %c0_i32_0 = arith.constant 0 : i32
    %c0_i32_1 = arith.constant 0 : i32
    return %c0_i32, %c0_i32_0 : i32, i32
  }
  func.func @transform_4(%arg0: i32) -> (i32, i32) {
    %c0_i32 = arith.constant 0 : i32
    %c0_i32_0 = arith.constant 0 : i32
    return %arg0, %c0_i32 : i32, i32
  }
}

module attributes {stable_mosaic.version = 14 : i64} {
  func.func @_scan_body(%arg0: i32, %arg1: memref<8192x128xi32, #tpu.memory_space<vmem>>, %arg2: memref<8192x128xi32, #tpu.memory_space<vmem>>, %arg3: memref<1x128xi32, #tpu.memory_space<vmem>>, %arg4: memref<64x192xf32, #tpu.memory_space<vmem>>, %arg5: memref<1x192xf32, #tpu.memory_space<vmem>>, %arg6: memref<1x64xf32, #tpu.memory_space<vmem>>, %arg7: memref<1x1xf32, #tpu.memory_space<vmem>>, %arg8: memref<1024x1xf32, #tpu.memory_space<vmem>>, %arg9: memref<1024x64xf32, #tpu.memory_space<vmem>>) attributes {dimension_semantics = [#tpu.dimension_semantics<arbitrary>], iteration_bounds = array<i64: 25>, scalar_prefetch = 0 : i64, scratch_operands = 1 : i64, tpu.core_type = #tpu.core_type<tc>, window_params = [{transform_indices = @transform_0, window_bounds = array<i64: 8192, 128>}, {transform_indices = @transform_1, window_bounds = array<i64: 8192, 128>}, {pipeline_mode = #tpu.pipeline_mode<synchronous>, transform_indices = @transform_2, window_bounds = array<i64: 1, 128>}, {pipeline_mode = #tpu.pipeline_mode<synchronous>, transform_indices = @transform_3, window_bounds = array<i64: 64, 192>}, {pipeline_mode = #tpu.pipeline_mode<synchronous>, transform_indices = @transform_4, window_bounds = array<i64: 1, 192>}, {pipeline_mode = #tpu.pipeline_mode<synchronous>, transform_indices = @transform_5, window_bounds = array<i64: 1, 64>}, {pipeline_mode = #tpu.pipeline_mode<synchronous>, transform_indices = @transform_6, window_bounds = array<i64: 1, 1>}, {pipeline_mode = #tpu.pipeline_mode<synchronous>, transform_indices = @transform_7, window_bounds = array<i64: 1024, 1>}]} {
    %eq3A = arith.constant 0 : i32
    %eq3A_0 = arith.cmpi eq, %arg0, %eq3A : i32
    %convert_element_type3A = arith.extui %eq3A_0 : i1 to i32
    %cond3A = arith.constant 0 : i32
    %cond3A_1 = arith.cmpi ne, %convert_element_type3A, %cond3A : i32
    scf.if %cond3A_1 {
      %broadcast_in_dim3A_429 = arith.constant 0.000000e+00 : f32
      %broadcast_in_dim3A_430 = vector.broadcast %broadcast_in_dim3A_429 : f32 to vector<1024x64xf32>
      %swap3A_431 = arith.constant 0 : index
      %swap3A_432 = arith.constant 0 : index
      %swap3A_433 = vector.load %arg9[%swap3A_431, %swap3A_432] : memref<1024x64xf32, #tpu.memory_space<vmem>>, vector<1024x64xf32>
      tpu.vector_store %arg9[%swap3A_431, %swap3A_432], %broadcast_in_dim3A_430 {strides = array<i32>} : memref<1024x64xf32, #tpu.memory_space<vmem>>, vector<1024x64xf32>,
    } else {
    }
    %get3A = arith.constant 0 : index
    %get3A_2 = arith.constant 0 : index
    %get3A_3 = vector.load %arg3[%get3A, %get3A_2] : memref<1x128xi32, #tpu.memory_space<vmem>>, vector<1x128xi32>
    %ne3A = arith.constant 0 : i32
    %ne3A_4 = vector.broadcast %ne3A : i32 to vector<1x128xi32>
    %ne3A_5 = arith.cmpi ne, %get3A_3, %ne3A_4 : vector<1x128xi32>
    %get3A_6 = arith.constant 0 : index
    %get3A_7 = arith.constant 0 : index
    %get3A_8 = vector.load %arg9[%get3A_6, %get3A_7] : memref<1024x64xf32, #tpu.memory_space<vmem>>, vector<1024x64xf32>
    %get3A_9 = arith.constant 0 : index
    %get3A_10 = arith.constant 0 : index
    %get3A_11 = vector.load %arg1[%get3A_9, %get3A_10] : memref<8192x128xi32, #tpu.memory_space<vmem>>, vector<1024x128xi32>
    %get3A_12 = arith.constant 7168 : index
    %get3A_13 = arith.constant 0 : index
    %get3A_14 = vector.load %arg2[%get3A_12, %get3A_13] : memref<8192x128xi32, #tpu.memory_space<vmem>>, vector<1024x128xi32>
    %broadcast_in_dim3A = vector.shape_cast %ne3A_5 : vector<1x128xi1> to vector<1x128xi1>
    %broadcast_in_dim3A_15 = vector.broadcast %broadcast_in_dim3A : vector<1x128xi1> to vector<1024x128xi1>
    %select_n3A = arith.select %broadcast_in_dim3A_15, %get3A_11, %get3A_14 : vector<1024x128xi1>, vector<1024x128xi32>
    %bitcast_convert_type3A = tpu.bitcast %select_n3A : vector<1024x128xi32> -> vector<1024x128xi32>
    %shift_left3A = arith.constant 16 : i32
    %shift_left3A_16 = vector.broadcast %shift_left3A : i32 to vector<1024x128xi32>
    %shift_left3A_17 = arith.shli %bitcast_convert_type3A, %shift_left3A_16 : vector<1024x128xi32>
    %bitcast_convert_type3A_18 = tpu.bitcast %shift_left3A_17 : vector<1024x128xi32> -> vector<1024x128xf32>
    %and3A = arith.constant -65536 : i32
    %and3A_19 = vector.broadcast %and3A : i32 to vector<1024x128xi32>
    %and3A_20 = arith.andi %bitcast_convert_type3A, %and3A_19 : vector<1024x128xi32>
    %bitcast_convert_type3A_21 = tpu.bitcast %and3A_20 : vector<1024x128xi32> -> vector<1024x128xf32>
    %get3A_22 = arith.constant 0 : index
    %get3A_23 = arith.constant 0 : index
    %get3A_24 = vector.load %arg4[%get3A_22, %get3A_23] : memref<64x192xf32, #tpu.memory_space<vmem>>, vector<64x192xf32>
    %dot_general3A = arith.constant dense<0.000000e+00> : vector<1024x192xf32>
    %dot_general3A_25 = tpu.matmul %get3A_8, %get3A_24, %dot_general3A {dimension_numbers = #tpu.dot_dimension_numbers<[1], [0], [0], [1], [0, 0, 1, 1], [], []>, transpose_lhs_hint = false} : vector<1024x64xf32>, vector<64x192xf32>, vector<1024x192xf32> -> vector<1024x192xf32>
    %get3A_26 = arith.constant 0 : index
    %get3A_27 = arith.constant 0 : index
    %get3A_28 = vector.load %arg5[%get3A_26, %get3A_27] : memref<1x192xf32, #tpu.memory_space<vmem>>, vector<1x192xf32>
    %add3A = vector.broadcast %get3A_28 : vector<1x192xf32> to vector<1024x192xf32>
    %add3A_29 = arith.addf %dot_general3A_25, %add3A : vector<1024x192xf32>
    %slice3A = vector.extract_strided_slice %add3A_29 {offsets = [0, 0], sizes = [1024, 128], strides = [1, 1]} : vector<1024x192xf32> to vector<1024x128xf32>
    %add3A_30 = arith.addf %bitcast_convert_type3A_18, %slice3A : vector<1024x128xf32>
    %mul3A = arith.constant 5.000000e-01 : f32
    %mul3A_31 = vector.broadcast %mul3A : f32 to vector<1024x128xf32>
    %mul3A_32 = arith.mulf %mul3A_31, %add3A_30 : vector<1024x128xf32>
    %tanh3A = math.tanh %mul3A_32 : vector<1024x128xf32>
    %mul3A_33 = arith.constant 5.000000e-01 : f32
    %mul3A_34 = vector.broadcast %mul3A_33 : f32 to vector<1024x128xf32>
    %mul3A_35 = arith.mulf %mul3A_34, %tanh3A : vector<1024x128xf32>
    %add3A_36 = arith.constant 5.000000e-01 : f32
    %add3A_37 = vector.broadcast %add3A_36 : f32 to vector<1024x128xf32>
    %add3A_38 = arith.addf %mul3A_35, %add3A_37 : vector<1024x128xf32>
    %slice3A_39 = vector.extract_strided_slice %add3A_38 {offsets = [0, 0], sizes = [1024, 64], strides = [1, 1]} : vector<1024x128xf32> to vector<1024x64xf32>
    %slice3A_40 = vector.extract_strided_slice %add3A_38 {offsets = [0, 64], sizes = [1024, 64], strides = [1, 1]} : vector<1024x128xf32> to vector<1024x64xf32>
    %slice3A_41 = vector.extract_strided_slice %bitcast_convert_type3A_21 {offsets = [0, 0], sizes = [1024, 64], strides = [1, 1]} : vector<1024x128xf32> to vector<1024x64xf32>
    %slice3A_42 = vector.extract_strided_slice %add3A_29 {offsets = [0, 128], sizes = [1024, 64], strides = [1, 1]} : vector<1024x192xf32> to vector<1024x64xf32>
    %mul3A_43 = arith.mulf %slice3A_39, %slice3A_42 : vector<1024x64xf32>
    %add3A_44 = arith.addf %slice3A_41, %mul3A_43 : vector<1024x64xf32>
    %tanh3A_45 = math.tanh %add3A_44 : vector<1024x64xf32>
    %sub3A = arith.constant 1.000000e+00 : f32
    %sub3A_46 = vector.broadcast %sub3A : f32 to vector<1024x64xf32>
    %sub3A_47 = arith.subf %sub3A_46, %slice3A_40 : vector<1024x64xf32>
    %mul3A_48 = arith.mulf %sub3A_47, %tanh3A_45 : vector<1024x64xf32>
    %mul3A_49 = arith.mulf %slice3A_40, %get3A_8 : vector<1024x64xf32>
    %add3A_50 = arith.addf %mul3A_48, %mul3A_49 : vector<1024x64xf32>
    %get3A_51 = arith.constant 1024 : index
    %get3A_52 = arith.constant 0 : index
    %get3A_53 = vector.load %arg1[%get3A_51, %get3A_52] : memref<8192x128xi32, #tpu.memory_space<vmem>>, vector<1024x128xi32>
    %get3A_54 = arith.constant 6144 : index
    %get3A_55 = arith.constant 0 : index
    %get3A_56 = vector.load %arg2[%get3A_54, %get3A_55] : memref<8192x128xi32, #tpu.memory_space<vmem>>, vector<1024x128xi32>
    %broadcast_in_dim3A_57 = vector.shape_cast %ne3A_5 : vector<1x128xi1> to vector<1x128xi1>
    %broadcast_in_dim3A_58 = vector.broadcast %broadcast_in_dim3A_57 : vector<1x128xi1> to vector<1024x128xi1>
    %select_n3A_59 = arith.select %broadcast_in_dim3A_58, %get3A_53, %get3A_56 : vector<1024x128xi1>, vector<1024x128xi32>
    %bitcast_convert_type3A_60 = tpu.bitcast %select_n3A_59 : vector<1024x128xi32> -> vector<1024x128xi32>
    %shift_left3A_61 = arith.constant 16 : i32
    %shift_left3A_62 = vector.broadcast %shift_left3A_61 : i32 to vector<1024x128xi32>
    %shift_left3A_63 = arith.shli %bitcast_convert_type3A_60, %shift_left3A_62 : vector<1024x128xi32>
    %bitcast_convert_type3A_64 = tpu.bitcast %shift_left3A_63 : vector<1024x128xi32> -> vector<1024x128xf32>
    %and3A_65 = arith.constant -65536 : i32
    %and3A_66 = vector.broadcast %and3A_65 : i32 to vector<1024x128xi32>
    %and3A_67 = arith.andi %bitcast_convert_type3A_60, %and3A_66 : vector<1024x128xi32>
    %bitcast_convert_type3A_68 = tpu.bitcast %and3A_67 : vector<1024x128xi32> -> vector<1024x128xf32>
    %get3A_69 = arith.constant 0 : index
    %get3A_70 = arith.constant 0 : index
    %get3A_71 = vector.load %arg4[%get3A_69, %get3A_70] : memref<64x192xf32, #tpu.memory_space<vmem>>, vector<64x192xf32>
    %dot_general3A_72 = arith.constant dense<0.000000e+00> : vector<1024x192xf32>
    %dot_general3A_73 = tpu.matmul %add3A_50, %get3A_71, %dot_general3A_72 {dimension_numbers = #tpu.dot_dimension_numbers<[1], [0], [0], [1], [0, 0, 1, 1], [], []>, transpose_lhs_hint = false} : vector<1024x64xf32>, vector<64x192xf32>, vector<1024x192xf32> -> vector<1024x192xf32>
    %get3A_74 = arith.constant 0 : index
    %get3A_75 = arith.constant 0 : index
    %get3A_76 = vector.load %arg5[%get3A_74, %get3A_75] : memref<1x192xf32, #tpu.memory_space<vmem>>, vector<1x192xf32>
    %add3A_77 = vector.broadcast %get3A_76 : vector<1x192xf32> to vector<1024x192xf32>
    %add3A_78 = arith.addf %dot_general3A_73, %add3A_77 : vector<1024x192xf32>
    %slice3A_79 = vector.extract_strided_slice %add3A_78 {offsets = [0, 0], sizes = [1024, 128], strides = [1, 1]} : vector<1024x192xf32> to vector<1024x128xf32>
    %add3A_80 = arith.addf %bitcast_convert_type3A_64, %slice3A_79 : vector<1024x128xf32>
    %mul3A_81 = arith.constant 5.000000e-01 : f32
    %mul3A_82 = vector.broadcast %mul3A_81 : f32 to vector<1024x128xf32>
    %mul3A_83 = arith.mulf %mul3A_82, %add3A_80 : vector<1024x128xf32>
    %tanh3A_84 = math.tanh %mul3A_83 : vector<1024x128xf32>
    %mul3A_85 = arith.constant 5.000000e-01 : f32
    %mul3A_86 = vector.broadcast %mul3A_85 : f32 to vector<1024x128xf32>
    %mul3A_87 = arith.mulf %mul3A_86, %tanh3A_84 : vector<1024x128xf32>
    %add3A_88 = arith.constant 5.000000e-01 : f32
    %add3A_89 = vector.broadcast %add3A_88 : f32 to vector<1024x128xf32>
    %add3A_90 = arith.addf %mul3A_87, %add3A_89 : vector<1024x128xf32>
    %slice3A_91 = vector.extract_strided_slice %add3A_90 {offsets = [0, 0], sizes = [1024, 64], strides = [1, 1]} : vector<1024x128xf32> to vector<1024x64xf32>
    %slice3A_92 = vector.extract_strided_slice %add3A_90 {offsets = [0, 64], sizes = [1024, 64], strides = [1, 1]} : vector<1024x128xf32> to vector<1024x64xf32>
    %slice3A_93 = vector.extract_strided_slice %bitcast_convert_type3A_68 {offsets = [0, 0], sizes = [1024, 64], strides = [1, 1]} : vector<1024x128xf32> to vector<1024x64xf32>
    %slice3A_94 = vector.extract_strided_slice %add3A_78 {offsets = [0, 128], sizes = [1024, 64], strides = [1, 1]} : vector<1024x192xf32> to vector<1024x64xf32>
    %mul3A_95 = arith.mulf %slice3A_91, %slice3A_94 : vector<1024x64xf32>
    %add3A_96 = arith.addf %slice3A_93, %mul3A_95 : vector<1024x64xf32>
    %tanh3A_97 = math.tanh %add3A_96 : vector<1024x64xf32>
    %sub3A_98 = arith.constant 1.000000e+00 : f32
    %sub3A_99 = vector.broadcast %sub3A_98 : f32 to vector<1024x64xf32>
    %sub3A_100 = arith.subf %sub3A_99, %slice3A_92 : vector<1024x64xf32>
    %mul3A_101 = arith.mulf %sub3A_100, %tanh3A_97 : vector<1024x64xf32>
    %mul3A_102 = arith.mulf %slice3A_92, %add3A_50 : vector<1024x64xf32>
    %add3A_103 = arith.addf %mul3A_101, %mul3A_102 : vector<1024x64xf32>
    %get3A_104 = arith.constant 2048 : index
    %get3A_105 = arith.constant 0 : index
    %get3A_106 = vector.load %arg1[%get3A_104, %get3A_105] : memref<8192x128xi32, #tpu.memory_space<vmem>>, vector<1024x128xi32>
    %get3A_107 = arith.constant 5120 : index
    %get3A_108 = arith.constant 0 : index
    %get3A_109 = vector.load %arg2[%get3A_107, %get3A_108] : memref<8192x128xi32, #tpu.memory_space<vmem>>, vector<1024x128xi32>
    %broadcast_in_dim3A_110 = vector.shape_cast %ne3A_5 : vector<1x128xi1> to vector<1x128xi1>
    %broadcast_in_dim3A_111 = vector.broadcast %broadcast_in_dim3A_110 : vector<1x128xi1> to vector<1024x128xi1>
    %select_n3A_112 = arith.select %broadcast_in_dim3A_111, %get3A_106, %get3A_109 : vector<1024x128xi1>, vector<1024x128xi32>
    %bitcast_convert_type3A_113 = tpu.bitcast %select_n3A_112 : vector<1024x128xi32> -> vector<1024x128xi32>
    %shift_left3A_114 = arith.constant 16 : i32
    %shift_left3A_115 = vector.broadcast %shift_left3A_114 : i32 to vector<1024x128xi32>
    %shift_left3A_116 = arith.shli %bitcast_convert_type3A_113, %shift_left3A_115 : vector<1024x128xi32>
    %bitcast_convert_type3A_117 = tpu.bitcast %shift_left3A_116 : vector<1024x128xi32> -> vector<1024x128xf32>
    %and3A_118 = arith.constant -65536 : i32
    %and3A_119 = vector.broadcast %and3A_118 : i32 to vector<1024x128xi32>
    %and3A_120 = arith.andi %bitcast_convert_type3A_113, %and3A_119 : vector<1024x128xi32>
    %bitcast_convert_type3A_121 = tpu.bitcast %and3A_120 : vector<1024x128xi32> -> vector<1024x128xf32>
    %get3A_122 = arith.constant 0 : index
    %get3A_123 = arith.constant 0 : index
    %get3A_124 = vector.load %arg4[%get3A_122, %get3A_123] : memref<64x192xf32, #tpu.memory_space<vmem>>, vector<64x192xf32>
    %dot_general3A_125 = arith.constant dense<0.000000e+00> : vector<1024x192xf32>
    %dot_general3A_126 = tpu.matmul %add3A_103, %get3A_124, %dot_general3A_125 {dimension_numbers = #tpu.dot_dimension_numbers<[1], [0], [0], [1], [0, 0, 1, 1], [], []>, transpose_lhs_hint = false} : vector<1024x64xf32>, vector<64x192xf32>, vector<1024x192xf32> -> vector<1024x192xf32>
    %get3A_127 = arith.constant 0 : index
    %get3A_128 = arith.constant 0 : index
    %get3A_129 = vector.load %arg5[%get3A_127, %get3A_128] : memref<1x192xf32, #tpu.memory_space<vmem>>, vector<1x192xf32>
    %add3A_130 = vector.broadcast %get3A_129 : vector<1x192xf32> to vector<1024x192xf32>
    %add3A_131 = arith.addf %dot_general3A_126, %add3A_130 : vector<1024x192xf32>
    %slice3A_132 = vector.extract_strided_slice %add3A_131 {offsets = [0, 0], sizes = [1024, 128], strides = [1, 1]} : vector<1024x192xf32> to vector<1024x128xf32>
    %add3A_133 = arith.addf %bitcast_convert_type3A_117, %slice3A_132 : vector<1024x128xf32>
    %mul3A_134 = arith.constant 5.000000e-01 : f32
    %mul3A_135 = vector.broadcast %mul3A_134 : f32 to vector<1024x128xf32>
    %mul3A_136 = arith.mulf %mul3A_135, %add3A_133 : vector<1024x128xf32>
    %tanh3A_137 = math.tanh %mul3A_136 : vector<1024x128xf32>
    %mul3A_138 = arith.constant 5.000000e-01 : f32
    %mul3A_139 = vector.broadcast %mul3A_138 : f32 to vector<1024x128xf32>
    %mul3A_140 = arith.mulf %mul3A_139, %tanh3A_137 : vector<1024x128xf32>
    %add3A_141 = arith.constant 5.000000e-01 : f32
    %add3A_142 = vector.broadcast %add3A_141 : f32 to vector<1024x128xf32>
    %add3A_143 = arith.addf %mul3A_140, %add3A_142 : vector<1024x128xf32>
    %slice3A_144 = vector.extract_strided_slice %add3A_143 {offsets = [0, 0], sizes = [1024, 64], strides = [1, 1]} : vector<1024x128xf32> to vector<1024x64xf32>
    %slice3A_145 = vector.extract_strided_slice %add3A_143 {offsets = [0, 64], sizes = [1024, 64], strides = [1, 1]} : vector<1024x128xf32> to vector<1024x64xf32>
    %slice3A_146 = vector.extract_strided_slice %bitcast_convert_type3A_121 {offsets = [0, 0], sizes = [1024, 64], strides = [1, 1]} : vector<1024x128xf32> to vector<1024x64xf32>
    %slice3A_147 = vector.extract_strided_slice %add3A_131 {offsets = [0, 128], sizes = [1024, 64], strides = [1, 1]} : vector<1024x192xf32> to vector<1024x64xf32>
    %mul3A_148 = arith.mulf %slice3A_144, %slice3A_147 : vector<1024x64xf32>
    %add3A_149 = arith.addf %slice3A_146, %mul3A_148 : vector<1024x64xf32>
    %tanh3A_150 = math.tanh %add3A_149 : vector<1024x64xf32>
    %sub3A_151 = arith.constant 1.000000e+00 : f32
    %sub3A_152 = vector.broadcast %sub3A_151 : f32 to vector<1024x64xf32>
    %sub3A_153 = arith.subf %sub3A_152, %slice3A_145 : vector<1024x64xf32>
    %mul3A_154 = arith.mulf %sub3A_153, %tanh3A_150 : vector<1024x64xf32>
    %mul3A_155 = arith.mulf %slice3A_145, %add3A_103 : vector<1024x64xf32>
    %add3A_156 = arith.addf %mul3A_154, %mul3A_155 : vector<1024x64xf32>
    %get3A_157 = arith.constant 3072 : index
    %get3A_158 = arith.constant 0 : index
    %get3A_159 = vector.load %arg1[%get3A_157, %get3A_158] : memref<8192x128xi32, #tpu.memory_space<vmem>>, vector<1024x128xi32>
    %get3A_160 = arith.constant 4096 : index
    %get3A_161 = arith.constant 0 : index
    %get3A_162 = vector.load %arg2[%get3A_160, %get3A_161] : memref<8192x128xi32, #tpu.memory_space<vmem>>, vector<1024x128xi32>
    %broadcast_in_dim3A_163 = vector.shape_cast %ne3A_5 : vector<1x128xi1> to vector<1x128xi1>
    %broadcast_in_dim3A_164 = vector.broadcast %broadcast_in_dim3A_163 : vector<1x128xi1> to vector<1024x128xi1>
    %select_n3A_165 = arith.select %broadcast_in_dim3A_164, %get3A_159, %get3A_162 : vector<1024x128xi1>, vector<1024x128xi32>
    %bitcast_convert_type3A_166 = tpu.bitcast %select_n3A_165 : vector<1024x128xi32> -> vector<1024x128xi32>
    %shift_left3A_167 = arith.constant 16 : i32
    %shift_left3A_168 = vector.broadcast %shift_left3A_167 : i32 to vector<1024x128xi32>
    %shift_left3A_169 = arith.shli %bitcast_convert_type3A_166, %shift_left3A_168 : vector<1024x128xi32>
    %bitcast_convert_type3A_170 = tpu.bitcast %shift_left3A_169 : vector<1024x128xi32> -> vector<1024x128xf32>
    %and3A_171 = arith.constant -65536 : i32
    %and3A_172 = vector.broadcast %and3A_171 : i32 to vector<1024x128xi32>
    %and3A_173 = arith.andi %bitcast_convert_type3A_166, %and3A_172 : vector<1024x128xi32>
    %bitcast_convert_type3A_174 = tpu.bitcast %and3A_173 : vector<1024x128xi32> -> vector<1024x128xf32>
    %get3A_175 = arith.constant 0 : index
    %get3A_176 = arith.constant 0 : index
    %get3A_177 = vector.load %arg4[%get3A_175, %get3A_176] : memref<64x192xf32, #tpu.memory_space<vmem>>, vector<64x192xf32>
    %dot_general3A_178 = arith.constant dense<0.000000e+00> : vector<1024x192xf32>
    %dot_general3A_179 = tpu.matmul %add3A_156, %get3A_177, %dot_general3A_178 {dimension_numbers = #tpu.dot_dimension_numbers<[1], [0], [0], [1], [0, 0, 1, 1], [], []>, transpose_lhs_hint = false} : vector<1024x64xf32>, vector<64x192xf32>, vector<1024x192xf32> -> vector<1024x192xf32>
    %get3A_180 = arith.constant 0 : index
    %get3A_181 = arith.constant 0 : index
    %get3A_182 = vector.load %arg5[%get3A_180, %get3A_181] : memref<1x192xf32, #tpu.memory_space<vmem>>, vector<1x192xf32>
    %add3A_183 = vector.broadcast %get3A_182 : vector<1x192xf32> to vector<1024x192xf32>
    %add3A_184 = arith.addf %dot_general3A_179, %add3A_183 : vector<1024x192xf32>
    %slice3A_185 = vector.extract_strided_slice %add3A_184 {offsets = [0, 0], sizes = [1024, 128], strides = [1, 1]} : vector<1024x192xf32> to vector<1024x128xf32>
    %add3A_186 = arith.addf %bitcast_convert_type3A_170, %slice3A_185 : vector<1024x128xf32>
    %mul3A_187 = arith.constant 5.000000e-01 : f32
    %mul3A_188 = vector.broadcast %mul3A_187 : f32 to vector<1024x128xf32>
    %mul3A_189 = arith.mulf %mul3A_188, %add3A_186 : vector<1024x128xf32>
    %tanh3A_190 = math.tanh %mul3A_189 : vector<1024x128xf32>
    %mul3A_191 = arith.constant 5.000000e-01 : f32
    %mul3A_192 = vector.broadcast %mul3A_191 : f32 to vector<1024x128xf32>
    %mul3A_193 = arith.mulf %mul3A_192, %tanh3A_190 : vector<1024x128xf32>
    %add3A_194 = arith.constant 5.000000e-01 : f32
    %add3A_195 = vector.broadcast %add3A_194 : f32 to vector<1024x128xf32>
    %add3A_196 = arith.addf %mul3A_193, %add3A_195 : vector<1024x128xf32>
    %slice3A_197 = vector.extract_strided_slice %add3A_196 {offsets = [0, 0], sizes = [1024, 64], strides = [1, 1]} : vector<1024x128xf32> to vector<1024x64xf32>
    %slice3A_198 = vector.extract_strided_slice %add3A_196 {offsets = [0, 64], sizes = [1024, 64], strides = [1, 1]} : vector<1024x128xf32> to vector<1024x64xf32>
    %slice3A_199 = vector.extract_strided_slice %bitcast_convert_type3A_174 {offsets = [0, 0], sizes = [1024, 64], strides = [1, 1]} : vector<1024x128xf32> to vector<1024x64xf32>
    %slice3A_200 = vector.extract_strided_slice %add3A_184 {offsets = [0, 128], sizes = [1024, 64], strides = [1, 1]} : vector<1024x192xf32> to vector<1024x64xf32>
    %mul3A_201 = arith.mulf %slice3A_197, %slice3A_200 : vector<1024x64xf32>
    %add3A_202 = arith.addf %slice3A_199, %mul3A_201 : vector<1024x64xf32>
    %tanh3A_203 = math.tanh %add3A_202 : vector<1024x64xf32>
    %sub3A_204 = arith.constant 1.000000e+00 : f32
    %sub3A_205 = vector.broadcast %sub3A_204 : f32 to vector<1024x64xf32>
    %sub3A_206 = arith.subf %sub3A_205, %slice3A_198 : vector<1024x64xf32>
    %mul3A_207 = arith.mulf %sub3A_206, %tanh3A_203 : vector<1024x64xf32>
    %mul3A_208 = arith.mulf %slice3A_198, %add3A_156 : vector<1024x64xf32>
    %add3A_209 = arith.addf %mul3A_207, %mul3A_208 : vector<1024x64xf32>
    %get3A_210 = arith.constant 4096 : index
    %get3A_211 = arith.constant 0 : index
    %get3A_212 = vector.load %arg1[%get3A_210, %get3A_211] : memref<8192x128xi32, #tpu.memory_space<vmem>>, vector<1024x128xi32>
    %get3A_213 = arith.constant 3072 : index
    %get3A_214 = arith.constant 0 : index
    %get3A_215 = vector.load %arg2[%get3A_213, %get3A_214] : memref<8192x128xi32, #tpu.memory_space<vmem>>, vector<1024x128xi32>
    %broadcast_in_dim3A_216 = vector.shape_cast %ne3A_5 : vector<1x128xi1> to vector<1x128xi1>
    %broadcast_in_dim3A_217 = vector.broadcast %broadcast_in_dim3A_216 : vector<1x128xi1> to vector<1024x128xi1>
    %select_n3A_218 = arith.select %broadcast_in_dim3A_217, %get3A_212, %get3A_215 : vector<1024x128xi1>, vector<1024x128xi32>
    %bitcast_convert_type3A_219 = tpu.bitcast %select_n3A_218 : vector<1024x128xi32> -> vector<1024x128xi32>
    %shift_left3A_220 = arith.constant 16 : i32
    %shift_left3A_221 = vector.broadcast %shift_left3A_220 : i32 to vector<1024x128xi32>
    %shift_left3A_222 = arith.shli %bitcast_convert_type3A_219, %shift_left3A_221 : vector<1024x128xi32>
    %bitcast_convert_type3A_223 = tpu.bitcast %shift_left3A_222 : vector<1024x128xi32> -> vector<1024x128xf32>
    %and3A_224 = arith.constant -65536 : i32
    %and3A_225 = vector.broadcast %and3A_224 : i32 to vector<1024x128xi32>
    %and3A_226 = arith.andi %bitcast_convert_type3A_219, %and3A_225 : vector<1024x128xi32>
    %bitcast_convert_type3A_227 = tpu.bitcast %and3A_226 : vector<1024x128xi32> -> vector<1024x128xf32>
    %get3A_228 = arith.constant 0 : index
    %get3A_229 = arith.constant 0 : index
    %get3A_230 = vector.load %arg4[%get3A_228, %get3A_229] : memref<64x192xf32, #tpu.memory_space<vmem>>, vector<64x192xf32>
    %dot_general3A_231 = arith.constant dense<0.000000e+00> : vector<1024x192xf32>
    %dot_general3A_232 = tpu.matmul %add3A_209, %get3A_230, %dot_general3A_231 {dimension_numbers = #tpu.dot_dimension_numbers<[1], [0], [0], [1], [0, 0, 1, 1], [], []>, transpose_lhs_hint = false} : vector<1024x64xf32>, vector<64x192xf32>, vector<1024x192xf32> -> vector<1024x192xf32>
    %get3A_233 = arith.constant 0 : index
    %get3A_234 = arith.constant 0 : index
    %get3A_235 = vector.load %arg5[%get3A_233, %get3A_234] : memref<1x192xf32, #tpu.memory_space<vmem>>, vector<1x192xf32>
    %add3A_236 = vector.broadcast %get3A_235 : vector<1x192xf32> to vector<1024x192xf32>
    %add3A_237 = arith.addf %dot_general3A_232, %add3A_236 : vector<1024x192xf32>
    %slice3A_238 = vector.extract_strided_slice %add3A_237 {offsets = [0, 0], sizes = [1024, 128], strides = [1, 1]} : vector<1024x192xf32> to vector<1024x128xf32>
    %add3A_239 = arith.addf %bitcast_convert_type3A_223, %slice3A_238 : vector<1024x128xf32>
    %mul3A_240 = arith.constant 5.000000e-01 : f32
    %mul3A_241 = vector.broadcast %mul3A_240 : f32 to vector<1024x128xf32>
    %mul3A_242 = arith.mulf %mul3A_241, %add3A_239 : vector<1024x128xf32>
    %tanh3A_243 = math.tanh %mul3A_242 : vector<1024x128xf32>
    %mul3A_244 = arith.constant 5.000000e-01 : f32
    %mul3A_245 = vector.broadcast %mul3A_244 : f32 to vector<1024x128xf32>
    %mul3A_246 = arith.mulf %mul3A_245, %tanh3A_243 : vector<1024x128xf32>
    %add3A_247 = arith.constant 5.000000e-01 : f32
    %add3A_248 = vector.broadcast %add3A_247 : f32 to vector<1024x128xf32>
    %add3A_249 = arith.addf %mul3A_246, %add3A_248 : vector<1024x128xf32>
    %slice3A_250 = vector.extract_strided_slice %add3A_249 {offsets = [0, 0], sizes = [1024, 64], strides = [1, 1]} : vector<1024x128xf32> to vector<1024x64xf32>
    %slice3A_251 = vector.extract_strided_slice %add3A_249 {offsets = [0, 64], sizes = [1024, 64], strides = [1, 1]} : vector<1024x128xf32> to vector<1024x64xf32>
    %slice3A_252 = vector.extract_strided_slice %bitcast_convert_type3A_227 {offsets = [0, 0], sizes = [1024, 64], strides = [1, 1]} : vector<1024x128xf32> to vector<1024x64xf32>
    %slice3A_253 = vector.extract_strided_slice %add3A_237 {offsets = [0, 128], sizes = [1024, 64], strides = [1, 1]} : vector<1024x192xf32> to vector<1024x64xf32>
    %mul3A_254 = arith.mulf %slice3A_250, %slice3A_253 : vector<1024x64xf32>
    %add3A_255 = arith.addf %slice3A_252, %mul3A_254 : vector<1024x64xf32>
    %tanh3A_256 = math.tanh %add3A_255 : vector<1024x64xf32>
    %sub3A_257 = arith.constant 1.000000e+00 : f32
    %sub3A_258 = vector.broadcast %sub3A_257 : f32 to vector<1024x64xf32>
    %sub3A_259 = arith.subf %sub3A_258, %slice3A_251 : vector<1024x64xf32>
    %mul3A_260 = arith.mulf %sub3A_259, %tanh3A_256 : vector<1024x64xf32>
    %mul3A_261 = arith.mulf %slice3A_251, %add3A_209 : vector<1024x64xf32>
    %add3A_262 = arith.addf %mul3A_260, %mul3A_261 : vector<1024x64xf32>
    %get3A_263 = arith.constant 5120 : index
    %get3A_264 = arith.constant 0 : index
    %get3A_265 = vector.load %arg1[%get3A_263, %get3A_264] : memref<8192x128xi32, #tpu.memory_space<vmem>>, vector<1024x128xi32>
    %get3A_266 = arith.constant 2048 : index
    %get3A_267 = arith.constant 0 : index
    %get3A_268 = vector.load %arg2[%get3A_266, %get3A_267] : memref<8192x128xi32, #tpu.memory_space<vmem>>, vector<1024x128xi32>
    %broadcast_in_dim3A_269 = vector.shape_cast %ne3A_5 : vector<1x128xi1> to vector<1x128xi1>
    %broadcast_in_dim3A_270 = vector.broadcast %broadcast_in_dim3A_269 : vector<1x128xi1> to vector<1024x128xi1>
    %select_n3A_271 = arith.select %broadcast_in_dim3A_270, %get3A_265, %get3A_268 : vector<1024x128xi1>, vector<1024x128xi32>
    %bitcast_convert_type3A_272 = tpu.bitcast %select_n3A_271 : vector<1024x128xi32> -> vector<1024x128xi32>
    %shift_left3A_273 = arith.constant 16 : i32
    %shift_left3A_274 = vector.broadcast %shift_left3A_273 : i32 to vector<1024x128xi32>
    %shift_left3A_275 = arith.shli %bitcast_convert_type3A_272, %shift_left3A_274 : vector<1024x128xi32>
    %bitcast_convert_type3A_276 = tpu.bitcast %shift_left3A_275 : vector<1024x128xi32> -> vector<1024x128xf32>
    %and3A_277 = arith.constant -65536 : i32
    %and3A_278 = vector.broadcast %and3A_277 : i32 to vector<1024x128xi32>
    %and3A_279 = arith.andi %bitcast_convert_type3A_272, %and3A_278 : vector<1024x128xi32>
    %bitcast_convert_type3A_280 = tpu.bitcast %and3A_279 : vector<1024x128xi32> -> vector<1024x128xf32>
    %get3A_281 = arith.constant 0 : index
    %get3A_282 = arith.constant 0 : index
    %get3A_283 = vector.load %arg4[%get3A_281, %get3A_282] : memref<64x192xf32, #tpu.memory_space<vmem>>, vector<64x192xf32>
    %dot_general3A_284 = arith.constant dense<0.000000e+00> : vector<1024x192xf32>
    %dot_general3A_285 = tpu.matmul %add3A_262, %get3A_283, %dot_general3A_284 {dimension_numbers = #tpu.dot_dimension_numbers<[1], [0], [0], [1], [0, 0, 1, 1], [], []>, transpose_lhs_hint = false} : vector<1024x64xf32>, vector<64x192xf32>, vector<1024x192xf32> -> vector<1024x192xf32>
    %get3A_286 = arith.constant 0 : index
    %get3A_287 = arith.constant 0 : index
    %get3A_288 = vector.load %arg5[%get3A_286, %get3A_287] : memref<1x192xf32, #tpu.memory_space<vmem>>, vector<1x192xf32>
    %add3A_289 = vector.broadcast %get3A_288 : vector<1x192xf32> to vector<1024x192xf32>
    %add3A_290 = arith.addf %dot_general3A_285, %add3A_289 : vector<1024x192xf32>
    %slice3A_291 = vector.extract_strided_slice %add3A_290 {offsets = [0, 0], sizes = [1024, 128], strides = [1, 1]} : vector<1024x192xf32> to vector<1024x128xf32>
    %add3A_292 = arith.addf %bitcast_convert_type3A_276, %slice3A_291 : vector<1024x128xf32>
    %mul3A_293 = arith.constant 5.000000e-01 : f32
    %mul3A_294 = vector.broadcast %mul3A_293 : f32 to vector<1024x128xf32>
    %mul3A_295 = arith.mulf %mul3A_294, %add3A_292 : vector<1024x128xf32>
    %tanh3A_296 = math.tanh %mul3A_295 : vector<1024x128xf32>
    %mul3A_297 = arith.constant 5.000000e-01 : f32
    %mul3A_298 = vector.broadcast %mul3A_297 : f32 to vector<1024x128xf32>
    %mul3A_299 = arith.mulf %mul3A_298, %tanh3A_296 : vector<1024x128xf32>
    %add3A_300 = arith.constant 5.000000e-01 : f32
    %add3A_301 = vector.broadcast %add3A_300 : f32 to vector<1024x128xf32>
    %add3A_302 = arith.addf %mul3A_299, %add3A_301 : vector<1024x128xf32>
    %slice3A_303 = vector.extract_strided_slice %add3A_302 {offsets = [0, 0], sizes = [1024, 64], strides = [1, 1]} : vector<1024x128xf32> to vector<1024x64xf32>
    %slice3A_304 = vector.extract_strided_slice %add3A_302 {offsets = [0, 64], sizes = [1024, 64], strides = [1, 1]} : vector<1024x128xf32> to vector<1024x64xf32>
    %slice3A_305 = vector.extract_strided_slice %bitcast_convert_type3A_280 {offsets = [0, 0], sizes = [1024, 64], strides = [1, 1]} : vector<1024x128xf32> to vector<1024x64xf32>
    %slice3A_306 = vector.extract_strided_slice %add3A_290 {offsets = [0, 128], sizes = [1024, 64], strides = [1, 1]} : vector<1024x192xf32> to vector<1024x64xf32>
    %mul3A_307 = arith.mulf %slice3A_303, %slice3A_306 : vector<1024x64xf32>
    %add3A_308 = arith.addf %slice3A_305, %mul3A_307 : vector<1024x64xf32>
    %tanh3A_309 = math.tanh %add3A_308 : vector<1024x64xf32>
    %sub3A_310 = arith.constant 1.000000e+00 : f32
    %sub3A_311 = vector.broadcast %sub3A_310 : f32 to vector<1024x64xf32>
    %sub3A_312 = arith.subf %sub3A_311, %slice3A_304 : vector<1024x64xf32>
    %mul3A_313 = arith.mulf %sub3A_312, %tanh3A_309 : vector<1024x64xf32>
    %mul3A_314 = arith.mulf %slice3A_304, %add3A_262 : vector<1024x64xf32>
    %add3A_315 = arith.addf %mul3A_313, %mul3A_314 : vector<1024x64xf32>
    %get3A_316 = arith.constant 6144 : index
    %get3A_317 = arith.constant 0 : index
    %get3A_318 = vector.load %arg1[%get3A_316, %get3A_317] : memref<8192x128xi32, #tpu.memory_space<vmem>>, vector<1024x128xi32>
    %get3A_319 = arith.constant 1024 : index
    %get3A_320 = arith.constant 0 : index
    %get3A_321 = vector.load %arg2[%get3A_319, %get3A_320] : memref<8192x128xi32, #tpu.memory_space<vmem>>, vector<1024x128xi32>
    %broadcast_in_dim3A_322 = vector.shape_cast %ne3A_5 : vector<1x128xi1> to vector<1x128xi1>
    %broadcast_in_dim3A_323 = vector.broadcast %broadcast_in_dim3A_322 : vector<1x128xi1> to vector<1024x128xi1>
    %select_n3A_324 = arith.select %broadcast_in_dim3A_323, %get3A_318, %get3A_321 : vector<1024x128xi1>, vector<1024x128xi32>
    %bitcast_convert_type3A_325 = tpu.bitcast %select_n3A_324 : vector<1024x128xi32> -> vector<1024x128xi32>
    %shift_left3A_326 = arith.constant 16 : i32
    %shift_left3A_327 = vector.broadcast %shift_left3A_326 : i32 to vector<1024x128xi32>
    %shift_left3A_328 = arith.shli %bitcast_convert_type3A_325, %shift_left3A_327 : vector<1024x128xi32>
    %bitcast_convert_type3A_329 = tpu.bitcast %shift_left3A_328 : vector<1024x128xi32> -> vector<1024x128xf32>
    %and3A_330 = arith.constant -65536 : i32
    %and3A_331 = vector.broadcast %and3A_330 : i32 to vector<1024x128xi32>
    %and3A_332 = arith.andi %bitcast_convert_type3A_325, %and3A_331 : vector<1024x128xi32>
    %bitcast_convert_type3A_333 = tpu.bitcast %and3A_332 : vector<1024x128xi32> -> vector<1024x128xf32>
    %get3A_334 = arith.constant 0 : index
    %get3A_335 = arith.constant 0 : index
    %get3A_336 = vector.load %arg4[%get3A_334, %get3A_335] : memref<64x192xf32, #tpu.memory_space<vmem>>, vector<64x192xf32>
    %dot_general3A_337 = arith.constant dense<0.000000e+00> : vector<1024x192xf32>
    %dot_general3A_338 = tpu.matmul %add3A_315, %get3A_336, %dot_general3A_337 {dimension_numbers = #tpu.dot_dimension_numbers<[1], [0], [0], [1], [0, 0, 1, 1], [], []>, transpose_lhs_hint = false} : vector<1024x64xf32>, vector<64x192xf32>, vector<1024x192xf32> -> vector<1024x192xf32>
    %get3A_339 = arith.constant 0 : index
    %get3A_340 = arith.constant 0 : index
    %get3A_341 = vector.load %arg5[%get3A_339, %get3A_340] : memref<1x192xf32, #tpu.memory_space<vmem>>, vector<1x192xf32>
    %add3A_342 = vector.broadcast %get3A_341 : vector<1x192xf32> to vector<1024x192xf32>
    %add3A_343 = arith.addf %dot_general3A_338, %add3A_342 : vector<1024x192xf32>
    %slice3A_344 = vector.extract_strided_slice %add3A_343 {offsets = [0, 0], sizes = [1024, 128], strides = [1, 1]} : vector<1024x192xf32> to vector<1024x128xf32>
    %add3A_345 = arith.addf %bitcast_convert_type3A_329, %slice3A_344 : vector<1024x128xf32>
    %mul3A_346 = arith.constant 5.000000e-01 : f32
    %mul3A_347 = vector.broadcast %mul3A_346 : f32 to vector<1024x128xf32>
    %mul3A_348 = arith.mulf %mul3A_347, %add3A_345 : vector<1024x128xf32>
    %tanh3A_349 = math.tanh %mul3A_348 : vector<1024x128xf32>
    %mul3A_350 = arith.constant 5.000000e-01 : f32
    %mul3A_351 = vector.broadcast %mul3A_350 : f32 to vector<1024x128xf32>
    %mul3A_352 = arith.mulf %mul3A_351, %tanh3A_349 : vector<1024x128xf32>
    %add3A_353 = arith.constant 5.000000e-01 : f32
    %add3A_354 = vector.broadcast %add3A_353 : f32 to vector<1024x128xf32>
    %add3A_355 = arith.addf %mul3A_352, %add3A_354 : vector<1024x128xf32>
    %slice3A_356 = vector.extract_strided_slice %add3A_355 {offsets = [0, 0], sizes = [1024, 64], strides = [1, 1]} : vector<1024x128xf32> to vector<1024x64xf32>
    %slice3A_357 = vector.extract_strided_slice %add3A_355 {offsets = [0, 64], sizes = [1024, 64], strides = [1, 1]} : vector<1024x128xf32> to vector<1024x64xf32>
    %slice3A_358 = vector.extract_strided_slice %bitcast_convert_type3A_333 {offsets = [0, 0], sizes = [1024, 64], strides = [1, 1]} : vector<1024x128xf32> to vector<1024x64xf32>
    %slice3A_359 = vector.extract_strided_slice %add3A_343 {offsets = [0, 128], sizes = [1024, 64], strides = [1, 1]} : vector<1024x192xf32> to vector<1024x64xf32>
    %mul3A_360 = arith.mulf %slice3A_356, %slice3A_359 : vector<1024x64xf32>
    %add3A_361 = arith.addf %slice3A_358, %mul3A_360 : vector<1024x64xf32>
    %tanh3A_362 = math.tanh %add3A_361 : vector<1024x64xf32>
    %sub3A_363 = arith.constant 1.000000e+00 : f32
    %sub3A_364 = vector.broadcast %sub3A_363 : f32 to vector<1024x64xf32>
    %sub3A_365 = arith.subf %sub3A_364, %slice3A_357 : vector<1024x64xf32>
    %mul3A_366 = arith.mulf %sub3A_365, %tanh3A_362 : vector<1024x64xf32>
    %mul3A_367 = arith.mulf %slice3A_357, %add3A_315 : vector<1024x64xf32>
    %add3A_368 = arith.addf %mul3A_366, %mul3A_367 : vector<1024x64xf32>
    %get3A_369 = arith.constant 7168 : index
    %get3A_370 = arith.constant 0 : index
    %get3A_371 = vector.load %arg1[%get3A_369, %get3A_370] : memref<8192x128xi32, #tpu.memory_space<vmem>>, vector<1024x128xi32>
    %get3A_372 = arith.constant 0 : index
    %get3A_373 = arith.constant 0 : index
    %get3A_374 = vector.load %arg2[%get3A_372, %get3A_373] : memref<8192x128xi32, #tpu.memory_space<vmem>>, vector<1024x128xi32>
    %broadcast_in_dim3A_375 = vector.shape_cast %ne3A_5 : vector<1x128xi1> to vector<1x128xi1>
    %broadcast_in_dim3A_376 = vector.broadcast %broadcast_in_dim3A_375 : vector<1x128xi1> to vector<1024x128xi1>
    %select_n3A_377 = arith.select %broadcast_in_dim3A_376, %get3A_371, %get3A_374 : vector<1024x128xi1>, vector<1024x128xi32>
    %bitcast_convert_type3A_378 = tpu.bitcast %select_n3A_377 : vector<1024x128xi32> -> vector<1024x128xi32>
    %shift_left3A_379 = arith.constant 16 : i32
    %shift_left3A_380 = vector.broadcast %shift_left3A_379 : i32 to vector<1024x128xi32>
    %shift_left3A_381 = arith.shli %bitcast_convert_type3A_378, %shift_left3A_380 : vector<1024x128xi32>
    %bitcast_convert_type3A_382 = tpu.bitcast %shift_left3A_381 : vector<1024x128xi32> -> vector<1024x128xf32>
    %and3A_383 = arith.constant -65536 : i32
    %and3A_384 = vector.broadcast %and3A_383 : i32 to vector<1024x128xi32>
    %and3A_385 = arith.andi %bitcast_convert_type3A_378, %and3A_384 : vector<1024x128xi32>
    %bitcast_convert_type3A_386 = tpu.bitcast %and3A_385 : vector<1024x128xi32> -> vector<1024x128xf32>
    %get3A_387 = arith.constant 0 : index
    %get3A_388 = arith.constant 0 : index
    %get3A_389 = vector.load %arg4[%get3A_387, %get3A_388] : memref<64x192xf32, #tpu.memory_space<vmem>>, vector<64x192xf32>
    %dot_general3A_390 = arith.constant dense<0.000000e+00> : vector<1024x192xf32>
    %dot_general3A_391 = tpu.matmul %add3A_368, %get3A_389, %dot_general3A_390 {dimension_numbers = #tpu.dot_dimension_numbers<[1], [0], [0], [1], [0, 0, 1, 1], [], []>, transpose_lhs_hint = false} : vector<1024x64xf32>, vector<64x192xf32>, vector<1024x192xf32> -> vector<1024x192xf32>
    %get3A_392 = arith.constant 0 : index
    %get3A_393 = arith.constant 0 : index
    %get3A_394 = vector.load %arg5[%get3A_392, %get3A_393] : memref<1x192xf32, #tpu.memory_space<vmem>>, vector<1x192xf32>
    %add3A_395 = vector.broadcast %get3A_394 : vector<1x192xf32> to vector<1024x192xf32>
    %add3A_396 = arith.addf %dot_general3A_391, %add3A_395 : vector<1024x192xf32>
    %slice3A_397 = vector.extract_strided_slice %add3A_396 {offsets = [0, 0], sizes = [1024, 128], strides = [1, 1]} : vector<1024x192xf32> to vector<1024x128xf32>
    %add3A_398 = arith.addf %bitcast_convert_type3A_382, %slice3A_397 : vector<1024x128xf32>
    %mul3A_399 = arith.constant 5.000000e-01 : f32
    %mul3A_400 = vector.broadcast %mul3A_399 : f32 to vector<1024x128xf32>
    %mul3A_401 = arith.mulf %mul3A_400, %add3A_398 : vector<1024x128xf32>
    %tanh3A_402 = math.tanh %mul3A_401 : vector<1024x128xf32>
    %mul3A_403 = arith.constant 5.000000e-01 : f32
    %mul3A_404 = vector.broadcast %mul3A_403 : f32 to vector<1024x128xf32>
    %mul3A_405 = arith.mulf %mul3A_404, %tanh3A_402 : vector<1024x128xf32>
    %add3A_406 = arith.constant 5.000000e-01 : f32
    %add3A_407 = vector.broadcast %add3A_406 : f32 to vector<1024x128xf32>
    %add3A_408 = arith.addf %mul3A_405, %add3A_407 : vector<1024x128xf32>
    %slice3A_409 = vector.extract_strided_slice %add3A_408 {offsets = [0, 0], sizes = [1024, 64], strides = [1, 1]} : vector<1024x128xf32> to vector<1024x64xf32>
    %slice3A_410 = vector.extract_strided_slice %add3A_408 {offsets = [0, 64], sizes = [1024, 64], strides = [1, 1]} : vector<1024x128xf32> to vector<1024x64xf32>
    %slice3A_411 = vector.extract_strided_slice %bitcast_convert_type3A_386 {offsets = [0, 0], sizes = [1024, 64], strides = [1, 1]} : vector<1024x128xf32> to vector<1024x64xf32>
    %slice3A_412 = vector.extract_strided_slice %add3A_396 {offsets = [0, 128], sizes = [1024, 64], strides = [1, 1]} : vector<1024x192xf32> to vector<1024x64xf32>
    %mul3A_413 = arith.mulf %slice3A_409, %slice3A_412 : vector<1024x64xf32>
    %add3A_414 = arith.addf %slice3A_411, %mul3A_413 : vector<1024x64xf32>
    %tanh3A_415 = math.tanh %add3A_414 : vector<1024x64xf32>
    %sub3A_416 = arith.constant 1.000000e+00 : f32
    %sub3A_417 = vector.broadcast %sub3A_416 : f32 to vector<1024x64xf32>
    %sub3A_418 = arith.subf %sub3A_417, %slice3A_410 : vector<1024x64xf32>
    %mul3A_419 = arith.mulf %sub3A_418, %tanh3A_415 : vector<1024x64xf32>
    %mul3A_420 = arith.mulf %slice3A_410, %add3A_368 : vector<1024x64xf32>
    %add3A_421 = arith.addf %mul3A_419, %mul3A_420 : vector<1024x64xf32>
    %swap3A = arith.constant 0 : index
    %swap3A_422 = arith.constant 0 : index
    %swap3A_423 = vector.load %arg9[%swap3A, %swap3A_422] : memref<1024x64xf32, #tpu.memory_space<vmem>>, vector<1024x64xf32>
    tpu.vector_store %arg9[%swap3A, %swap3A_422], %add3A_421 {strides = array<i32>} : memref<1024x64xf32, #tpu.memory_space<vmem>>, vector<1024x64xf32>,
    %eq3A_424 = arith.constant 24 : i32
    %eq3A_425 = arith.cmpi eq, %arg0, %eq3A_424 : i32
    %convert_element_type3A_426 = arith.extui %eq3A_425 : i1 to i32
    %cond3A_427 = arith.constant 0 : i32
    %cond3A_428 = arith.cmpi ne, %convert_element_type3A_426, %cond3A_427 : i32
    scf.if %cond3A_428 {
      %get3A_429 = arith.constant 0 : index
      %get3A_430 = arith.constant 0 : index
      %get3A_431 = vector.load %arg6[%get3A_429, %get3A_430] : memref<1x64xf32, #tpu.memory_space<vmem>>, vector<1x64xf32>
      %mul3A_432 = vector.broadcast %get3A_431 : vector<1x64xf32> to vector<1024x64xf32>
      %mul3A_433 = arith.mulf %add3A_421, %mul3A_432 : vector<1024x64xf32>
      %reduce_sum3A = arith.constant dense<0.000000e+00> : vector<1024xf32>
      %reduce_sum3A_434 = vector.multi_reduction <add>, %mul3A_433, %reduce_sum3A [1] : vector<1024x64xf32> to vector<1024xf32>
      %broadcast_in_dim3A_435 = vector.shape_cast %reduce_sum3A_434 : vector<1024xf32> to vector<1024x1xf32>
      %get3A_436 = arith.constant 0 : index
      %get3A_437 = arith.constant 0 : index
      %get3A_438 = vector.load %arg7[%get3A_436, %get3A_437] : memref<1x1xf32, #tpu.memory_space<vmem>>, vector<1x1xf32>
      %add3A_439 = vector.broadcast %get3A_438 : vector<1x1xf32> to vector<1024x1xf32>
      %add3A_440 = arith.addf %broadcast_in_dim3A_435, %add3A_439 : vector<1024x1xf32>
      %mul3A_441 = arith.constant 5.000000e-01 : f32
      %mul3A_442 = vector.broadcast %mul3A_441 : f32 to vector<1024x1xf32>
      %mul3A_443 = arith.mulf %mul3A_442, %add3A_440 : vector<1024x1xf32>
      %tanh3A_444 = math.tanh %mul3A_443 : vector<1024x1xf32>
      %mul3A_445 = arith.constant 5.000000e-01 : f32
      %mul3A_446 = vector.broadcast %mul3A_445 : f32 to vector<1024x1xf32>
      %mul3A_447 = arith.mulf %mul3A_446, %tanh3A_444 : vector<1024x1xf32>
      %add3A_448 = arith.constant 5.000000e-01 : f32
      %add3A_449 = vector.broadcast %add3A_448 : f32 to vector<1024x1xf32>
      %add3A_450 = arith.addf %mul3A_447, %add3A_449 : vector<1024x1xf32>
      %swap3A_451 = arith.constant 0 : index
      %swap3A_452 = arith.constant 0 : index
      %swap3A_453 = vector.load %arg8[%swap3A_451, %swap3A_452] : memref<1024x1xf32, #tpu.memory_space<vmem>>, vector<1024x1xf32>
      tpu.vector_store %arg8[%swap3A_451, %swap3A_452], %add3A_450 {strides = array<i32>} : memref<1024x1xf32, #tpu.memory_space<vmem>>, vector<1024x1xf32>,
    } else {
    }
    return
  }
  func.func @transform_0(%arg0: i32) -> (i32, i32) {
    %c0_i32 = arith.constant 0 : i32
    %c0_i32_0 = arith.constant 0 : i32
    return %arg0, %c0_i32 : i32, i32
  }
  func.func @transform_1(%arg0: i32) -> (i32, i32) {
    %sub3A = arith.constant 24 : i32
    %sub3A_0 = arith.subi %sub3A, %arg0 : i32
    %c0_i32 = arith.constant 0 : i32
    %c0_i32_1 = arith.constant 0 : i32
    return %sub3A_0, %c0_i32 : i32, i32
  }
  func.func @transform_2(%arg0: i32) -> (i32, i32) {
    %c0_i32 = arith.constant 0 : i32
    %c0_i32_0 = arith.constant 0 : i32
    %c0_i32_1 = arith.constant 0 : i32
    return %c0_i32, %c0_i32_0 : i32, i32
  }
  func.func @transform_3(%arg0: i32) -> (i32, i32) {
    %c0_i32 = arith.constant 0 : i32
    %c0_i32_0 = arith.constant 0 : i32
    %c0_i32_1 = arith.constant 0 : i32
    return %c0_i32, %c0_i32_0 : i32, i32
  }
  func.func @transform_4(%arg0: i32) -> (i32, i32) {
    %c0_i32 = arith.constant 0 : i32
    %c0_i32_0 = arith.constant 0 : i32
    %c0_i32_1 = arith.constant 0 : i32
    return %c0_i32, %c0_i32_0 : i32, i32
  }
  func.func @transform_5(%arg0: i32) -> (i32, i32) {
    %c0_i32 = arith.constant 0 : i32
    %c0_i32_0 = arith.constant 0 : i32
    %c0_i32_1 = arith.constant 0 : i32
    return %c0_i32, %c0_i32_0 : i32, i32
  }
  func.func @transform_6(%arg0: i32) -> (i32, i32) {
    %c0_i32 = arith.constant 0 : i32
    %c0_i32_0 = arith.constant 0 : i32
    %c0_i32_1 = arith.constant 0 : i32
    return %c0_i32, %c0_i32_0 : i32, i32
  }
  func.func @transform_7(%arg0: i32) -> (i32, i32) {
    %c0_i32 = arith.constant 0 : i32
    %c0_i32_0 = arith.constant 0 : i32
    %c0_i32_1 = arith.constant 0 : i32
    return %c0_i32, %c0_i32_0 : i32, i32
  }
}

</mosaic_0001>

<sc_bundles>
// kernel: kernel.5.cloned.1.call-start
scs
__scs_entry_jumppad:
0x0: {  	(pc) =	sbr.rel $0x88, $3  }
0x1: {  	(tag) =	ssettag $0x0;
	lr =	simm.s32 $0x1  }
0x2: {  	[smem:$0x3F95] =	sst lr;
	_ =	strace $0xD0000000  }
0x3: {  	_ = 	snop  }
0x4: {  	_ = 	snop  }
0x5: {  	_ = 	snop  }
0x6: {  	_ = 	snop  }
0x7: {  	_ = 	snop  }
__scs_overlays_trampoline_lowered:
0x8: {  	[smem:$0x3FA4] =	sst s0  }
0x9: {  	[smem:$0x3FA5] =	sst s1  }
0xa: {  	[smem:$0x3FA6] =	sst s2  }
0xb: {  	[smem:$0x3FA7] =	sst s3  }
0xc: {  	[smem:$0x3FA8] =	sst s4  }
0xd: {  	[smem:$0x3FA9] =	sst s5  }
0xe: {  	[smem:$0x3FAA] =	sst s6  }
0xf: {  	[smem:$0x3FAB] =	sst s7  }
0x10: {  	[smem:$0x3FAC] =	sst s8  }
0x11: {  	[smem:$0x3FAD] =	sst s9;
	s0 =	simm.s32 @!p0 $0x0  }
0x12: {  	s1 =	sld [smem:$0x3F93];
	s0 =	simm.s32 @p0 $0x1  }
0x13: {  	[smem:$0x3FAE] =	sst s0;
	s0 =	simm.s32 @!p1 $0x0  }
0x14: {  	s2 =	sld [smem:$0x3F92];
	s0 =	simm.s32 @p1 $0x1  }
0x15: {  	[smem:$0x3FAF] =	sst s0;
	s0 =	simm.s32 @!p2 $0x0  }
0x16: {  	s3 =	sld [smem:$0x3FDB];
	s0 =	simm.s32 @p2 $0x1  }
0x17: {  	s4 =	simm.s32 $0x1BF5;
	[smem:$0x3FB1] =	sst s0  }
0x18: {  	s0 =	sld [smem:$0x3F94];
	_ =	swait.ge [sflag:s4], $0x0  }
0x19: {  	s7 =	sld [smem:$0x3F95]  }
0x1a: {  	s8 =	sadd.s32 $0xFFFFE003, lr  }
0x1b: {  	s9 =	sadd.s32 $0xFFFFFEF7, lr;
	s5 =	simm.s32 $0xFFFFFFFF;
	p2 =	slt.u32 s8, $0xFFFFF086  }
0x1c: {  	p1 =	slt.u32 s9, $0xF7A;
	s5 =	simm.s32 @!p2 $0x0  }
0x1d: {  	s5 =	simm.s32 @p1 $0x1;
	p0 =	seq.s32 s7, s2  }
0x1e: {  	s7 =	smul.u32 @!p0 $0xF7A, s2;
	p2 =	seq.s32 @!p0 s5, $0x0  }
0x1f: {  	s9 =	smul.u32 $0xF7A, s1;
	s8 =	simm.s32 @!p0 $0x1BF5;
	p2 =	por !p2, p0  }
0x20: {  	[sflag:s8] =	ssyncset.s32 @!p0 $0xFFFFF086;
	s6 =	sadd.s32 @!p0 s3, s7;
	s7 =	simm.s32 @!p0 $0x108  }
0x21: {  	s3 =	sadd.s32 s3, s9;
	s6 =	sadd.s32 @!p0 $0x88, s6;
	s7 =	simm.s32 @p2 $0x1082  }
0x22: {  	[simem:s7], [sflag:s8] =	dma.local @!p0 [hbm:s6], $0xF7A  }
0x23: {  	s9 =	sor.u32 $0xD0000000, s2;
	s6 =	simm.s32 $0x108;
	_ =	swait.ge @!p0 [sflag:s8], $0x0  }
0x24: {  	s3 =	sadd.s32 $0x88, s3;
	s6 =	simm.s32 @!p1 $0x1082;
	[sflag:s4] =	ssyncset.s32 $0xFFFFF086  }
0x25: {  	[simem:s6], [sflag:s4] =	dma.local [hbm:s3], $0xF7A  }
0x26: {  	[smem:$0x3F95] =	sst s1;
	(tag) =	ssettag s2;
	_ =	strace s9  }
0x27: {  	s1 =	sld [smem:$0x3FA5]  }
0x28: {  	s2 =	sld [smem:$0x3FA6]  }
0x29: {  	s4 =	sld [smem:$0x3FA8]  }
0x2a: {  	p0 =	seq.s32 s5, $0x0;
	s5 =	sld [smem:$0x3FA9]  }
0x2b: {  	s6 =	sld [smem:$0x3FAA]  }
0x2c: {  	s7 =	sld [smem:$0x3FAB]  }
0x2d: {  	s3 =	simm.s32 $0x108;
	s8 =	sld [smem:$0x3FAC]  }
0x2e: {  	s3 =	simm.s32 @!p0 $0x1082;
	s9 =	sld [smem:$0x3FAD]  }
0x2f: {  	lr =	sadd.s32 s0, s3;
	s0 =	sld [smem:$0x3FA4]  }
0x30: {  	s3 =	sld [smem:$0x3FA7]  }
0x31: {  	[smem:$0x3FB0] =	sst s10  }
0x32: {  	s10 =	sld [smem:$0x3FAE];
	_ =	sdelay $0x3  }
0x33: {  	p0 =	seq.s32 s10, $0x1;
	s10 =	sld [smem:$0x3FB0];
	_ =	sdelay $0x3  }
0x34: {  	[smem:$0x3FB0] =	sst s10  }
0x35: {  	s10 =	sld [smem:$0x3FAF];
	_ =	sdelay $0x3  }
0x36: {  	p1 =	seq.s32 s10, $0x1;
	s10 =	sld [smem:$0x3FB0];
	_ =	sdelay $0x3  }
0x37: {  	[smem:$0x3FB0] =	sst s10  }
0x38: {  	s10 =	sld [smem:$0x3FB1]  }
0x39: {  	_ = 	snop;
	(pc) =	sbr.ind lr, $3  }
0x3a: {  	_ = 	snop  }
0x3b: {  	_ = 	snop  }
0x3c: {  	p2 =	seq.s32 s10, $0x1;
	s10 =	sld [smem:$0x3FB0]  }
0x3d: {  	_ =	shalt  }
0x3e: {  	_ =	shalt  }
0x3f: {  	_ =	shalt  }
0x40: {  	_ =	shalt  }
0x41: {  	_ =	shalt  }
0x42: {  	_ =	shalt  }
0x43: {  	_ =	shalt  }
0x44: {  	_ =	shalt  }
0x45: {  	_ =	shalt  }
0x46: {  	_ =	shalt  }
0x47: {  	_ =	shalt  }
0x48: {  	_ =	shalt  }
0x49: {  	_ =	shalt  }
0x4a: {  	_ =	shalt  }
0x4b: {  	_ =	shalt  }
0x4c: {  	_ =	shalt  }
0x4d: {  	_ =	shalt  }
0x4e: {  	_ =	shalt  }
0x4f: {  	_ =	shalt  }
0x50: {  	_ =	shalt  }
0x51: {  	_ =	shalt  }
0x52: {  	_ =	shalt  }
0x53: {  	_ =	shalt  }
0x54: {  	_ =	shalt  }
0x55: {  	_ =	shalt  }
0x56: {  	_ =	shalt  }
0x57: {  	_ =	shalt  }
0x58: {  	_ =	shalt  }
0x59: {  	_ =	shalt  }
0x5a: {  	_ =	shalt  }
0x5b: {  	_ =	shalt  }
0x5c: {  	_ =	shalt  }
0x5d: {  	_ =	shalt  }
0x5e: {  	_ =	shalt  }
0x5f: {  	_ =	shalt  }
0x60: {  	_ =	shalt  }
0x61: {  	_ =	shalt  }
0x62: {  	_ =	shalt  }
0x63: {  	_ =	shalt  }
0x64: {  	_ =	shalt  }
0x65: {  	_ =	shalt  }
0x66: {  	_ =	shalt  }
0x67: {  	_ =	shalt  }
0x68: {  	_ =	shalt  }
0x69: {  	_ =	shalt  }
0x6a: {  	_ =	shalt  }
0x6b: {  	_ =	shalt  }
0x6c: {  	_ =	shalt  }
0x6d: {  	_ =	shalt  }
0x6e: {  	_ =	shalt  }
0x6f: {  	_ =	shalt  }
0x70: {  	_ =	shalt  }
0x71: {  	_ =	shalt  }
0x72: {  	_ =	shalt  }
0x73: {  	_ =	shalt  }
0x74: {  	_ =	shalt  }
0x75: {  	_ =	shalt  }
0x76: {  	_ =	shalt  }
0x77: {  	_ =	shalt  }
0x78: {  	_ =	shalt  }
0x79: {  	_ =	shalt  }
0x7a: {  	_ =	shalt  }
0x7b: {  	_ =	shalt  }
0x7c: {  	_ =	shalt  }
0x7d: {  	_ =	shalt  }
0x7e: {  	_ =	shalt  }
0x7f: {  	_ =	shalt  }
0x80: {  	_ =	shalt  }
0x81: {  	_ =	shalt  }
0x82: {  	_ =	shalt  }
0x83: {  	_ =	shalt  }
0x84: {  	_ =	shalt  }
0x85: {  	_ =	shalt  }
0x86: {  	_ =	shalt  }
0x87: {  	_ =	shalt  }
.Lfunc_end0:
.L_simem_size_0:
called_computation_lowered:
.L_overlay_start_0:
0x88: {  	s2 =	sld [smem:$0x3FD9]  }
0x89: {  	s3 =	sld [smem:$0x3FFE];
	_ =	sdelay $0x1  }
0x8a: {  	s1 =	srdreg.scid  }
0x8b: {  	s0 =	sand.u32 $0x1, s1  }
0x8c: {  	s16 =	sshll.u32 s0, $0xA;
	s2 =	sadd.s32 s3, s2  }
0x8d: {  	s2 =	sadd.s32 s2, s16  }
0x8e: {  	[smem:$0x3FBC] =	sst s2  }
0x8f: {  	_ = 	snop  }
0x90: {  	(tm) =	ssettm $0x1  }
0x91: {  	s17 =	sld [smem:$0x3FFB];
	_ =	sdelay $0x3  }
0x92: {  	_ =	strace s17  }
0x93: {  	s2 =	sld [smem:$0x3FFC];
	_ =	sdelay $0x3  }
0x94: {  	_ =	strace s2  }
0x95: {  	s2 =	sld [smem:$0x3FFD];
	_ =	sdelay $0x3  }
0x96: {  	_ =	strace s2  }
0x97: {  	_ =	strace $0x8FFFFFFF  }
0x98: {  	s18 =	sld [smem:$0x3FDB];
	_ =	sdelay $0x1  }
0x99: {  	s19 =	simm.s32 $_scs_section_size  }
0x9a: {  	s4 =	simm.s32 $_size__tile_overlayer_lowered;
	s5 =	simm.s32 $_tile_overlayer_lowered  }
0x9b: {  	s22 =	simm.s32 $0x1BFF;
	s21 =	sshll.u32 s5, $0x1;
	s2 =	sadd.s32 s19, s18  }
0x9c: {  	s6 =	simm.s32 $0x0;
	s20 =	sshll.u32 s4, $0x1;
	s4 =	sadd.s32 s21, s2  }
0x9d: {  	[timem:s6], [sflag:s22] =	dma.local [hbm:s4], s20  }
0x9e: {  	_ =	swait.ge [sflag:s22], s20  }
0x9f: {  	s3 =	ssub.s32 $0x0, s20;
	[sflag:s22] =	ssyncset.done $0x0  }
0xa0: {  	[sflag:s22] =	ssyncadd.s32 s3;
	_ =	sdelay $0x1  }
0xa1: {  	s23 =	simm.s32 $0x1B8B  }
0xa2: {  	_ =	swait.ge [sflag:s23], $0x1  }
0xa3: {  	[sflag:s23] =	ssyncset.done $0x0  }
0xa4: {  	s25 =	simm.s32 $0x1B8E;
	s24 =	sld [smem:$0x3FFE];
	[sflag:s23] =	ssyncadd.s32 $0xFFFFFFFF  }
0xa5: {  	s26 =	simm.s32 $execute0_lowered;
	[smem:$0x3FD2] =	sst s25  }
0xa6: {  	s4 =	sshll.u32 s26, $0x1;
	_ =	strace $0x80000046;
	[dreg:$0x1] =	wrdreg $0xFFFFFFFF  }
0xa7: {  	s28 =	simm.s32 $_size_execute0_lowered;
	s2 =	sadd.s32 s2, s4;
	[dreg:$0x0] =	wrdreg $0x0  }
0xa8: {  	s4 =	sshll.u32 s28, $0x1;
	[dreg:$0x2] =	wrdreg s2  }
0xa9: {  	[dreg:$0x3] =	wrdreg s4  }
0xaa: {  	[dreg:$0x4] =	wrdreg $0xC0  }
0xab: {  	_ =	task [dreg:s6], $0x5FFFF  }
0xac: {  	[dreg:$0x1] =	wrdreg $0xFFFFFFFF  }
0xad: {  	[dreg:$0x0] =	wrdreg $0x60  }
0xae: {  	[dreg:$0x2] =	wrdreg s24  }
0xaf: {  	[dreg:$0x3] =	wrdreg $0x9  }
0xb0: {  	_ =	task.clear_ibuf [dreg:s6], $0x4FFFF;
	_ =	strace $0x90000046  }
0xb1: {  	s29 =	simm.s32 $0x9;
	_ =	strace $0x80000048  }
0xb2: {  	_ =	swait.ge [sflag:s29], $0x1  }
0xb3: {  	[sflag:s29] =	ssyncadd.s32 $0xFFFFFFFF  }
0xb4: {  	_ =	strace $0x90000048  }
0xb5: {  	_ =	sfence  }
0xb6: {  	s30 =	sld [smem:$0x0];
	_ =	sdelay $0x2  }
0xb7: {  	s31 =	sshll.u32 s1, $0xD;
	s1 =	sshrl.u32 s1, $0x2  }
0xb8: {  	s3 =	sand.u32 $0x4000, s31;
	s1 =	sadd.s32 s1, s30  }
0xb9: {  	s0 =	sor.u32 s3, s0;
	s1 =	sshll.u32 s1, $0x11  }
0xba: {  	s0 =	sor.u32 s1, s0  }
0xbb: {  	s0 =	sadd.s32 $0x8F2B, s0  }
0xbc: {  	[sflag:s0] =	ssyncadd.remote.s32 $0x1  }
0xbd: {  	_ =	sfence.sel $0xFFFF  }
0xbe: {  	[dreg:$0x0] =	wrdreg $0xFFFFFFFF;
	(pc) =	sbr.abs _section_cstart, $3  }
0xbf: {  	[dreg:$0x1] =	wrdreg $0xFFFFFFFF  }
0xc0: {  	_ =	task.clear_ibuf [dreg:s6], $0x2FFFF;
	_ =	strace $0x9FFFFFFF  }
0xc1: {  	(tm) =	ssettm $0x7FFFFFFF  }
tec
execute0_lowered:
.L_overlay_start_1:
0x0: {  	(tag) =	ssettag $0x1  }
0x1: {  	s1 =	srdreg.scid  }
0x2: {  	s0 =	stileid.u32;
	s4 =	rddreg [dreg:$0x0]  }
0x3: {  	s2 =	simm.s32 $0x0;
	s11 =	simm.s32 $0x1900;
	s12 =	simm.s32 $0x7D00  }
0x4: {  	s13 =	simm.s32 $0x1;
	s14 =	simm.s32 $0x2;
	s15 =	simm.s32 $0x1838  }
0x5: {  	s16 =	simm.s32 $0x0;
	s6 =	sand.u32 $0x1, s1;
	s1 =	rddreg [dreg:$0x1]  }
0x6: {  	s25 =	sshll.u32 s0, $0x1;
	[smem:$0x7FF] =	sst s2;
	s29 =	smul.u32 $0x32000, s0  }
0x7: {  	s5 =	sor.u32 s6, s25;
	s8 =	ssub.s32 $0x2, s6;
	s31 =	smul.u32 $0x19000, s6  }
0x8: {  	s9 =	sadd.s32 $0x49BA00, s4;
	s3 =	smul.u32 $0x1900, s5;
	s26 =	sshrl.u32 s8, $0x1  }
0x9: {  	_ =	strace $0x80000047;
	s10 =	smul.u32 $0x19000, s5;
	s28 =	ssub.s32 s8, s26  }
0xa: {  	s8 =	sadd.s32 s29, s9;
	s7 =	sshrl.u32 s3, $0x3;
	s3 =	sadd.s32 $0x315000, s4  }
0xb: {  	s5 =	smax.u32 s28, $0x1;
	s30 =	sadd.s32 s9, s10;
	s8 =	sadd.s32 s31, s8  }
0xc: {  	s9 =	simm.s32 $0x3;
	s10 =	simm.s32 $0xC8;
	s7 =	sadd.s32 s7, s4  }
0xd: {  	s6 =	sadd.s32 $0x17700, s30;
	s4 =	sadd.s32 $0x30EC00, s7;
	s7 =	sadd.s32 $0x18380, s30  }
.LBB2_1:
0xe: {  	[tilespmem:s2], [sflag:$0x3] =	stream.linear.gather [hbm4b:s4+s2], $0x1900, $0x38;
	[tilespmem:$0xE100] =	vst v63  }
0xf: {  	_ =	swait.ge [sflag:s9], $0x1900  }
0x10: {  	[sflag:s9] =	ssyncset.done $0x0  }
0x11: {  	[sflag:s9] =	ssyncadd.s32 $0xFFFFE700  }
0x12: {  	[tilespmem:s11], [sflag:$0x1] =	stream.indirect.gather [hbm4b:s3+s10], $0x80, s2, s10, $0xb8;
	[tilespmem:$0xE100] =	vst v63  }
0x13: {  	s17 =	simm.s32 $0xC8  }
0x14: {  	[tilespmem:s12], [sflag:$0x2] =	stream.indirect.gather [hbm4b:s3+s10], $0x80, s17, s10, $0xb8;
	[tilespmem:$0xE100] =	vst v63  }
0x15: {  	_ =	swait.ge [sflag:s13], $0x6400  }
0x16: {  	[sflag:s13] =	ssyncset.done $0x0  }
0x17: {  	s31 =	sadd.s32 $0x0, s8;
	[sflag:s13] =	ssyncadd.s32 $0xFFFF9C00  }
0x18: {  	[hbm4b:s31+s2] =	stream.linear.scatter [tilespmem:s11], [sflag:$0x3], $0x6400, $0x38;
	[tilespmem:$0xE100] =	vst v63  }
0x19: {  	_ =	swait.ge [sflag:s9], $0x6400  }
0x1a: {  	[sflag:s9] =	ssyncset.done $0x0  }
0x1b: {  	s18 =	simm.s32 $0x190;
	[sflag:s9] =	ssyncadd.s32 $0xFFFF9C00  }
0x1c: {  	[tilespmem:s11], [sflag:$0x1] =	stream.indirect.gather [hbm4b:s3+s10], $0x80, s18, s10, $0xb8;
	[tilespmem:$0xE100] =	vst v63  }
0x1d: {  	_ =	swait.ge [sflag:s14], $0x6400  }
0x1e: {  	[sflag:s14] =	ssyncset.done $0x0  }
0x1f: {  	s17 =	sadd.s32 $0xC80, s31;
	[sflag:s14] =	ssyncadd.s32 $0xFFFF9C00  }
0x20: {  	[hbm4b:s17+s2] =	stream.linear.scatter [tilespmem:s12], [sflag:$0x3], $0x6400, $0x38;
	[tilespmem:$0xE100] =	vst v63  }
0x21: {  	s19 =	simm.s32 $0x3200;
	_ =	swait.ge [sflag:s9], $0x6400  }
0x22: {  	s18 =	simm.s32 $0x1900;
	s17 =	simm.s32 $0x320;
	[sflag:s9] =	ssyncset.done $0x0  }
.LBB2_2:
0x23: {  	p0 =	sne.s32 s19, $0x15E00;
	s20 =	sadd.s32 $0xFFFFFF38, s17;
	[sflag:s9] =	ssyncadd.s32 $0xFFFF9C00  }
0x24: {  	[tilespmem:s12], [sflag:$0x2] =	stream.indirect.gather [hbm4b:s3+s10], $0x80, s20, s10, $0xb8;
	[tilespmem:$0xE100] =	vst v63  }
0x25: {  	s20 =	smov.u32 s19;
	s19 =	sadd.s32 $0x1900, s19;
	_ =	swait.ge [sflag:s13], $0x6400  }
0x26: {  	[sflag:s13] =	ssyncset.done $0x0  }
0x27: {  	s21 =	sadd.s32 s18, s8;
	s18 =	smov.u32 s20;
	[sflag:s13] =	ssyncadd.s32 $0xFFFF9C00  }
0x28: {  	[hbm4b:s21+s2] =	stream.linear.scatter [tilespmem:s11], [sflag:$0x3], $0x6400, $0x38;
	[tilespmem:$0xE100] =	vst v63  }
0x29: {  	_ =	swait.ge [sflag:s9], $0x6400  }
0x2a: {  	[sflag:s9] =	ssyncset.done $0x0  }
0x2b: {  	[sflag:s9] =	ssyncadd.s32 $0xFFFF9C00  }
0x2c: {  	[tilespmem:s11], [sflag:$0x1] =	stream.indirect.gather [hbm4b:s3+s10], $0x80, s17, s10, $0xb8;
	[tilespmem:$0xE100] =	vst v63  }
0x2d: {  	_ =	swait.ge [sflag:s14], $0x6400  }
.Ltmp0:
0x2e: {  	[sflag:s14] =	ssyncset.done $0x0;
	(pc) =	sbr.rel @p0 .LBB2_2-.Ltmp0, $4  }
0x2f: {  	s20 =	sadd.s32 $0xC80, s21;
	[sflag:s14] =	ssyncadd.s32 $0xFFFF9C00  }
0x30: {  	[hbm4b:s20+s2] =	stream.linear.scatter [tilespmem:s12], [sflag:$0x3], $0x6400, $0x38;
	[tilespmem:$0xE100] =	vst v63  }
0x31: {  	_ =	swait.ge [sflag:s9], $0x6400  }
0x32: {  	s17 =	sadd.s32 $0x190, s17;
	[sflag:s9] =	ssyncset.done $0x0  }
0x33: {  	s19 =	sadd.s32 $0xFFFFFF38, s17;
	[sflag:s9] =	ssyncadd.s32 $0xFFFF9C00  }
0x34: {  	[tilespmem:s12], [sflag:$0x2] =	stream.indirect.gather [hbm4b:s3+s10], $0x80, s19, s10, $0xb8;
	[tilespmem:$0xE100] =	vst v63  }
0x35: {  	_ =	swait.ge [sflag:s13], $0x6400  }
0x36: {  	[sflag:s13] =	ssyncset.done $0x0  }
0x37: {  	s18 =	sadd.s32 s18, s8;
	[sflag:s13] =	ssyncadd.s32 $0xFFFF9C00  }
0x38: {  	[hbm4b:s18+s2] =	stream.linear.scatter [tilespmem:s11], [sflag:$0x3], $0x6400, $0x38;
	[tilespmem:$0xE100] =	vst v63  }
0x39: {  	_ =	swait.ge [sflag:s9], $0x6400  }
0x3a: {  	[sflag:s9] =	ssyncset.done $0x0  }
0x3b: {  	[sflag:s9] =	ssyncadd.s32 $0xFFFF9C00  }
0x3c: {  	[tilespmem:s11], [sflag:$0x1] =	stream.indirect.gather [hbm4b:s3+s10], $0x80, s17, s10, $0xb8;
	[tilespmem:$0xE100] =	vst v63  }
0x3d: {  	_ =	swait.ge [sflag:s14], $0x6400  }
0x3e: {  	[sflag:s14] =	ssyncset.done $0x0  }
0x3f: {  	s31 =	sadd.s32 $0xC80, s18;
	[sflag:s14] =	ssyncadd.s32 $0xFFFF9C00  }
0x40: {  	[hbm4b:s31+s2] =	stream.linear.scatter [tilespmem:s12], [sflag:$0x3], $0x6400, $0x38;
	[tilespmem:$0xE100] =	vst v63  }
0x41: {  	_ =	swait.ge [sflag:s9], $0x6400  }
0x42: {  	[sflag:s9] =	ssyncset.done $0x0  }
0x43: {  	[sflag:s9] =	ssyncadd.s32 $0xFFFF9C00  }
0x44: {  	[tilespmem:s12], [sflag:$0x2] =	stream.indirect.gather [hbm4b:s3+s10], $0x80, s15, s10, $0xb8;
	[tilespmem:$0xE100] =	vst v63  }
0x45: {  	_ =	swait.ge [sflag:s13], $0x6400  }
0x46: {  	[sflag:s13] =	ssyncset.done $0x0  }
0x47: {  	[sflag:s13] =	ssyncadd.s32 $0xFFFF9C00  }
0x48: {  	[hbm4b:s6+s2] =	stream.linear.scatter [tilespmem:s11], [sflag:$0x3], $0x6400, $0x38;
	[tilespmem:$0xE100] =	vst v63  }
0x49: {  	_ =	swait.ge [sflag:s9], $0x6400  }
0x4a: {  	[sflag:s9] =	ssyncset.done $0x0  }
0x4b: {  	[sflag:s9] =	ssyncadd.s32 $0xFFFF9C00  }
0x4c: {  	s16 =	sadd.s32 $0x1, s16;
	_ =	swait.ge [sflag:s14], $0x6400  }
0x4d: {  	p0 =	sne.s32 s16, s5;
	[sflag:s14] =	ssyncset.done $0x0  }
.Ltmp1:
0x4e: {  	[sflag:s14] =	ssyncadd.s32 $0xFFFF9C00;
	(pc) =	sbr.rel @p0 .LBB2_1-.Ltmp1, $4  }
0x4f: {  	[hbm4b:s7+s2] =	stream.linear.scatter [tilespmem:s12], [sflag:$0x3], $0x6400, $0x38;
	[tilespmem:$0xE100] =	vst v63  }
0x50: {  	_ =	swait.ge [sflag:s9], $0x6400  }
0x51: {  	[sflag:s9] =	ssyncset.done $0x0  }
0x52: {  	[sflag:s9] =	ssyncadd.s32 $0xFFFF9C00  }
0x53: {  	_ =	sfence.sel $0x180000  }
0x54: {  	[bflag:$0x0] =	sbarrier.arrive $0xFFFF  }
0x55: {  	p0 =	sne.s32 s0, $0x0;
	_ =	strace $0x90000047  }
0x56: {  	s0 =	sadd.s32 @!p0 $0x100000, s1;
	[bflag:$0x2] =	sbarrier.arrive $0xFFFF  }
0x57: {  	[sflag:s0] =	ssyncadd.tile.s32 @!p0 $0x1;
	_ =	shalt  }
.Lfunc_end2:
_tile_overlayer_lowered:
.L_overlay_start_2:
0x58: {  	(tag) =	ssettag $0x2  }
0x59: {  	s0 =	rddreg [dreg:$0x0];
	s2 =	stileid.u32  }
0x5a: {  	s1 =	rddreg [dreg:$0x1];
	p0 =	sne.s32 s2, $0x0  }
0x5b: {  	s3 =	rddreg [dreg:$0x2];
	[bflag:$0x3] =	sbarrier.arrive $0xFFFF;
	s2 =	simm.s32 @!p0 $0x1C03  }
0x5c: {  	[timem:s3], [sflag:s2] =	dma.local @!p0 [hbm:s0], s1  }
0x5d: {  	s0 =	simm.s32 @!p0 $0x3  }
0x5e: {  	_ =	swait.ge @!p0 [sflag:s0], s1  }
0x5f: {  	s1 =	ssub.s32 @!p0 $0x0, s1;
	[sflag:s0] =	ssyncset.done @!p0 $0x0  }
0x60: {  	[sflag:s0] =	ssyncadd.s32 @!p0 s1  }
0x61: {  	[bflag:$0x3] =	sbarrier.arrive $0xFFFF  }
0x62: {  	_ =	shalt  }

</sc_bundles>
